<compile_context>
chip_gen: v7x
topology: tpu7x:2x2x1
jax: 0.10.2.dev20260603
libtpu: 0.0.44.dev20260713+nightly
codegen_flags: <defaults>
</compile_context>

<pallas_src>
import functools

import jax
import jax.numpy as jnp
from jax import lax
from jax.experimental import pallas as pl
from jax.experimental.pallas import tpu as pltpu
from jax.experimental.pallas import tpu_sc as plsc

_B = 16384
_NC = 2
_NS = 16
_NW = _NC * _NS
_CHUNK = 128
_BPW = _B // _NW
_NCH = _BPW // _CHUNK


def _sc_gather(route_table, node_table, route_id, node_id):
    mesh = plsc.VectorSubcoreMesh(core_axis_name="c", subcore_axis_name="s")

    @functools.partial(
        pl.kernel,
        out_type=jax.ShapeDtypeStruct((_B, 128), jnp.float32),
        mesh=mesh,
        scratch_types=[
            pltpu.VMEM((2 * _BPW,), jnp.int32),
            pltpu.VMEM((_BPW, 8), jnp.float32),
            pltpu.VMEM((_BPW, 16), jnp.float32),
            pltpu.MemorySpace.VMEM_SHARED(route_table.shape, jnp.float32),
            pltpu.MemorySpace.VMEM_SHARED(node_table.shape, jnp.float32),
            pltpu.SemaphoreType.DMA,
        ],
        compiler_params=pltpu.CompilerParams(use_tc_tiling_on_sc=False),
    )
    def gather_kernel(rtab_hbm, ntab_hbm, rid_hbm, nid_hbm, out_hbm,
                      idx_v, rrows_v, nrows_v, rtab_s, ntab_s, sem):
        sid = lax.axis_index("s")
        wid = sid * _NC + lax.axis_index("c")
        base = wid * _BPW
        ridx_copy = pltpu.async_copy(
            rid_hbm.at[pl.ds(base, _BPW)], idx_v.at[pl.ds(0, _BPW)], sem)
        nidx_copy = pltpu.async_copy(
            nid_hbm.at[pl.ds(base, _BPW)], idx_v.at[pl.ds(_BPW, _BPW)], sem)

        @pl.when(sid == 0)
        def _stage_node():
            pltpu.sync_copy(ntab_hbm, ntab_s)

        @pl.when(sid == 1)
        def _stage_route():
            pltpu.sync_copy(rtab_hbm, rtab_s)

        ridx_copy.wait()
        nidx_copy.wait()
        plsc.subcore_barrier()
        copies = []
        for j in range(_NCH):
            copies.append(
                pltpu.async_copy(
                    rtab_s.at[idx_v.at[pl.ds(j * _CHUNK, _CHUNK)]],
                    rrows_v.at[pl.ds(j * _CHUNK, _CHUNK)],
                    sem,
                )
            )
            copies.append(
                pltpu.async_copy(
                    ntab_s.at[idx_v.at[pl.ds(_BPW + j * _CHUNK, _CHUNK)]],
                    nrows_v.at[pl.ds(j * _CHUNK, _CHUNK)],
                    sem,
                )
            )
        for c in copies:
            c.wait()
        wr = pltpu.async_copy(
            rrows_v, out_hbm.at[pl.ds(base, _BPW), pl.ds(8, 8)], sem)
        wn = pltpu.async_copy(
            nrows_v, out_hbm.at[pl.ds(base, _BPW), pl.ds(16, 16)], sem)
        wr.wait()
        wn.wait()

    return gather_kernel(route_table, node_table, route_id, node_id)


_TB = 4096


def _mlp_body(d_ref, p_ref, wk_ref, wtab_ref, w1_ref, b1_ref, w2_ref,
              b2_ref, w3_ref, b3_ref, o_ref):
    w1wk = jnp.dot(wtab_ref[...], w1_ref[31:33],
                   preferred_element_type=jnp.float32)
    onehot = (wk_ref[...][:, None] ==
              lax.broadcasted_iota(jnp.int32, (_TB, 3), 1)).astype(jnp.float32)
    x = (
        jnp.dot(d_ref[...], w1_ref[0:7], preferred_element_type=jnp.float32)
        + jnp.dot(p_ref[...][:, 8:32], w1_ref[7:31],
                  preferred_element_type=jnp.float32)
        + jnp.dot(onehot, w1wk, preferred_element_type=jnp.float32)
        + b1_ref[...]
    )
    h1 = jnp.maximum(x, 0.0)
    h2 = jnp.maximum(
        jnp.dot(h1, w2_ref[...], preferred_element_type=jnp.float32)
        + b2_ref[...], 0.0,
    )
    out = jnp.dot(h2, w3_ref[...], preferred_element_type=jnp.float32)
    tout = jnp.transpose(out + b3_ref[0])
    o_ref[...] = jnp.reshape(tout, (_TB // 128, 128))


def _mlp(dense_feats, pack, weekday, weekday_table, W1, b1, W2, b2, W3, b3):
    grid = _B // _TB
    full = lambda shape: pl.BlockSpec(shape, lambda i: (0,) * len(shape))
    return pl.pallas_call(
        _mlp_body,
        grid=(grid,),
        in_specs=[
            pl.BlockSpec((_TB, 7), lambda i: (i, 0)),
            pl.BlockSpec((_TB, 128), lambda i: (i, 0)),
            pl.BlockSpec((_TB,), lambda i: (i,)),
            full((3, 2)),
            full((33, 128)),
            full((128,)),
            full((128, 64)),
            full((64,)),
            full((64, 1)),
            full((1,)),
        ],
        out_specs=pl.BlockSpec((_TB // 128, 128), lambda i: (i, 0)),
        out_shape=jax.ShapeDtypeStruct((_B // 128, 128), jnp.float32),
    )(dense_feats, pack, weekday, weekday_table, W1, b1, W2, b2, W3, b3)


def kernel(route_id, node_id, weekday, dense_feats, route_table, node_table,
           weekday_table, W1, b1, W2, b2, W3, b3):
    route_id = route_id.astype(jnp.int32)
    node_id = node_id.astype(jnp.int32)
    weekday = weekday.astype(jnp.int32)

    pack = _sc_gather(route_table, node_table, route_id, node_id)
    return _mlp(dense_feats, pack, weekday, weekday_table, W1, b1, W2, b2,
                W3, b3).reshape(_B)

# --- scband reference (transcript-rebuilt; emitter-appended) ---
"""Pipeline reference for scband-eta-mlp-45037027066453 (READ-ONLY COPY).

The authoritative reference and input builder live on the scoring server;
editing this copy changes nothing except your own understanding.
"""

import jax, jax.numpy as jnp
import numpy as np

B = 16384

def setup_inputs(seed: int = 0) -> dict:
    key = jax.random.key(seed)
    ks = jax.random.split(key, 13)
    route_id = jax.random.randint(ks[0], (B,), 0, 500, dtype=jnp.int64) if jax.config.jax_enable_x64 else jax.random.randint(ks[0], (B,), 0, 500, dtype=jnp.int32)
    node_id = jax.random.randint(ks[1], (B,), 0, 3200, dtype=route_id.dtype)
    weekday = jax.random.randint(ks[2], (B,), 0, 3, dtype=route_id.dtype)
    dense_feats = jax.random.normal(ks[3], (B, 7), dtype=jnp.float32)
    route_table = jax.random.normal(ks[4], (500, 8), dtype=jnp.float32)
    node_table = jax.random.normal(ks[5], (3200, 16), dtype=jnp.float32)
    weekday_table = jax.random.normal(ks[6], (3, 2), dtype=jnp.float32)
    in_dim = 7 + 8 + 16 + 2
    W1 = jax.random.normal(ks[7], (in_dim, 128), dtype=jnp.float32) * (1.0 / np.sqrt(in_dim))
    b1 = jnp.zeros((128,), dtype=jnp.float32)
    W2 = jax.random.normal(ks[8], (128, 64), dtype=jnp.float32) * (1.0 / np.sqrt(128))
    b2 = jnp.zeros((64,), dtype=jnp.float32)
    W3 = jax.random.normal(ks[9], (64, 1), dtype=jnp.float32) * (1.0 / np.sqrt(64))
    b3 = jnp.zeros((1,), dtype=jnp.float32)
    return {"route_id": route_id, "node_id": node_id, "weekday": weekday,
            "dense_feats": dense_feats, "route_table": route_table,
            "node_table": node_table, "weekday_table": weekday_table,
            "W1": W1, "b1": b1, "W2": W2, "b2": b2, "W3": W3, "b3": b3}

def reference(route_id, node_id, weekday, dense_feats, route_table, node_table,
              weekday_table, W1, b1, W2, b2, W3, b3):
    route_emb = jnp.take(route_table, route_id, axis=0)
    node_emb = jnp.take(node_table, node_id, axis=0)
    weekday_emb = jnp.take(weekday_table, weekday, axis=0)
    x = jnp.concatenate([dense_feats, route_emb, node_emb, weekday_emb], axis=1)
    x = jax.nn.relu(x @ W1 + b1)
    x = jax.nn.relu(x @ W2 + b2)
    x = x @ W3 + b3
    return jnp.squeeze(x)

if __name__ == "__main__":
    import jax
    _d = setup_inputs()
    print(jax.jit(kernel)(*tuple(_d.values())))

</pallas_src>

<mosaic_0001>
#map = affine_map<(d0, d1) -> (0, 0)>
#map1 = affine_map<(d0, d1) -> (0)>
module attributes {stable_mosaic.version = 14 : i64} {
  func.func @gather_kernel(%arg0: i32, %arg1: i32, %arg2: memref<500x8xf32, #tpu.memory_space<hbm>>, %arg3: memref<3200x16xf32, #tpu.memory_space<hbm>>, %arg4: memref<16384xi32, #tpu.memory_space<hbm>>, %arg5: memref<16384xi32, #tpu.memory_space<hbm>>, %arg6: memref<16384x128xf32, #tpu.memory_space<hbm>>, %arg7: memref<1024xi32, #tpu.memory_space<vmem>>, %arg8: memref<512x8xf32, #tpu.memory_space<vmem>>, %arg9: memref<512x16xf32, #tpu.memory_space<vmem>>, %arg10: memref<500x8xf32, #tpu.memory_space<vmem_shared>>, %arg11: memref<3200x16xf32, #tpu.memory_space<vmem_shared>>, %arg12: memref<!tpu.dma_semaphore, #tpu.memory_space<semaphore_mem>>) attributes {dimension_semantics = [#tpu.dimension_semantics<core_parallel>, #tpu.dimension_semantics<subcore_parallel>], iteration_bounds = array<i64: 2, 16>, scalar_prefetch = 0 : i64, scratch_operands = 6 : i64, tpu.core_type = #tpu.core_type<sc_vector_subcore>, window_params = [{transform_indices = #map}, {transform_indices = #map}, {transform_indices = #map1}, {transform_indices = #map1}, {transform_indices = #map}]} {
    %mul3A = arith.constant 2 : i32
    %mul3A_0 = arith.muli %arg1, %mul3A : i32
    %add3A = arith.addi %mul3A_0, %arg0 : i32
    %mul3A_1 = arith.constant 512 : i32
    %mul3A_2 = arith.muli %add3A, %mul3A_1 : i32
    %dma_start3A = arith.constant 0 : i32
    %dma_start3A_3 = tpu.memref_slice %arg7[%dma_start3A] : memref<1024xi32, #tpu.memory_space<vmem>> -> memref<512xi32, #tpu.memory_space<vmem>>
    %dma_start3A_4 = tpu.memref_slice %arg4[%mul3A_2] : memref<16384xi32, #tpu.memory_space<hbm>> -> memref<512xi32, #tpu.memory_space<hbm>>
    %dma_start3A_5 = arith.constant 0 : i32
    %dma_start3A_6 = tpu.memref_slice %arg7[%dma_start3A_5] : memref<1024xi32, #tpu.memory_space<vmem>> -> memref<512xi32, #tpu.memory_space<vmem>>
    %dma_start3A_7 = tpu.memref_slice %arg4[%mul3A_2] : memref<16384xi32, #tpu.memory_space<hbm>> -> memref<512xi32, #tpu.memory_space<hbm>>
    tpu.enqueue_dma source(%dma_start3A_7 : memref<512xi32, #tpu.memory_space<hbm>>) target(%dma_start3A_6 : memref<512xi32, #tpu.memory_space<vmem>>) target_semaphore(%arg12 : memref<!tpu.dma_semaphore, #tpu.memory_space<semaphore_mem>>)
    %dma_start3A_8 = arith.constant 512 : i32
    %dma_start3A_9 = tpu.memref_slice %arg7[%dma_start3A_8] : memref<1024xi32, #tpu.memory_space<vmem>> -> memref<512xi32, #tpu.memory_space<vmem>>
    %dma_start3A_10 = tpu.memref_slice %arg5[%mul3A_2] : memref<16384xi32, #tpu.memory_space<hbm>> -> memref<512xi32, #tpu.memory_space<hbm>>
    %dma_start3A_11 = arith.constant 512 : i32
    %dma_start3A_12 = tpu.memref_slice %arg7[%dma_start3A_11] : memref<1024xi32, #tpu.memory_space<vmem>> -> memref<512xi32, #tpu.memory_space<vmem>>
    %dma_start3A_13 = tpu.memref_slice %arg5[%mul3A_2] : memref<16384xi32, #tpu.memory_space<hbm>> -> memref<512xi32, #tpu.memory_space<hbm>>
    tpu.enqueue_dma source(%dma_start3A_13 : memref<512xi32, #tpu.memory_space<hbm>>) target(%dma_start3A_12 : memref<512xi32, #tpu.memory_space<vmem>>) target_semaphore(%arg12 : memref<!tpu.dma_semaphore, #tpu.memory_space<semaphore_mem>>)
    %eq3A = arith.constant 0 : i32
    %eq3A_14 = arith.cmpi eq, %arg1, %eq3A : i32
    %convert_element_type3A = arith.extui %eq3A_14 : i1 to i32
    %cond3A = arith.constant 0 : i32
    %cond3A_15 = arith.cmpi ne, %convert_element_type3A, %cond3A : i32
    scf.if %cond3A_15 {
      "tpu.region"() ({
        %run_scoped3A = tpu.sem_alloc : memref<!tpu.dma_semaphore, #tpu.memory_space<semaphore_mem>>
        tpu.enqueue_dma source(%arg3 : memref<3200x16xf32, #tpu.memory_space<hbm>>) target(%arg11 : memref<3200x16xf32, #tpu.memory_space<vmem_shared>>) target_semaphore(%run_scoped3A : memref<!tpu.dma_semaphore, #tpu.memory_space<semaphore_mem>>)
        tpu.wait_dma2 semaphore(%run_scoped3A : memref<!tpu.dma_semaphore, #tpu.memory_space<semaphore_mem>>) src(%arg3 : memref<3200x16xf32, #tpu.memory_space<hbm>>) dst(%arg11 : memref<3200x16xf32, #tpu.memory_space<vmem_shared>>)
        tpu.yield
      }) : () -> ()
    } else {
    }
    %eq3A_16 = arith.constant 1 : i32
    %eq3A_17 = arith.cmpi eq, %arg1, %eq3A_16 : i32
    %convert_element_type3A_18 = arith.extui %eq3A_17 : i1 to i32
    %cond3A_19 = arith.constant 0 : i32
    %cond3A_20 = arith.cmpi ne, %convert_element_type3A_18, %cond3A_19 : i32
    scf.if %cond3A_20 {
      "tpu.region"() ({
        %run_scoped3A = tpu.sem_alloc : memref<!tpu.dma_semaphore, #tpu.memory_space<semaphore_mem>>
        tpu.enqueue_dma source(%arg2 : memref<500x8xf32, #tpu.memory_space<hbm>>) target(%arg10 : memref<500x8xf32, #tpu.memory_space<vmem_shared>>) target_semaphore(%run_scoped3A : memref<!tpu.dma_semaphore, #tpu.memory_space<semaphore_mem>>)
        tpu.wait_dma2 semaphore(%run_scoped3A : memref<!tpu.dma_semaphore, #tpu.memory_space<semaphore_mem>>) src(%arg2 : memref<500x8xf32, #tpu.memory_space<hbm>>) dst(%arg10 : memref<500x8xf32, #tpu.memory_space<vmem_shared>>)
        tpu.yield
      }) : () -> ()
    } else {
    }
    %dma_wait3A = arith.constant 0 : i32
    %dma_wait3A_21 = tpu.memref_slice %arg7[%dma_wait3A] : memref<1024xi32, #tpu.memory_space<vmem>> -> memref<512xi32, #tpu.memory_space<vmem>>
    %dma_wait3A_22 = tpu.memref_slice %arg4[%mul3A_2] : memref<16384xi32, #tpu.memory_space<hbm>> -> memref<512xi32, #tpu.memory_space<hbm>>
    %dma_wait3A_23 = arith.constant 0 : i32
    %dma_wait3A_24 = tpu.memref_slice %arg7[%dma_wait3A_23] : memref<1024xi32, #tpu.memory_space<vmem>> -> memref<512xi32, #tpu.memory_space<vmem>>
    %dma_wait3A_25 = tpu.memref_slice %arg4[%mul3A_2] : memref<16384xi32, #tpu.memory_space<hbm>> -> memref<512xi32, #tpu.memory_space<hbm>>
    tpu.wait_dma2 semaphore(%arg12 : memref<!tpu.dma_semaphore, #tpu.memory_space<semaphore_mem>>) src(%dma_wait3A_25 : memref<512xi32, #tpu.memory_space<hbm>>) dst(%dma_wait3A_24 : memref<512xi32, #tpu.memory_space<vmem>>)
    %dma_wait3A_26 = arith.constant 512 : i32
    %dma_wait3A_27 = tpu.memref_slice %arg7[%dma_wait3A_26] : memref<1024xi32, #tpu.memory_space<vmem>> -> memref<512xi32, #tpu.memory_space<vmem>>
    %dma_wait3A_28 = tpu.memref_slice %arg5[%mul3A_2] : memref<16384xi32, #tpu.memory_space<hbm>> -> memref<512xi32, #tpu.memory_space<hbm>>
    %dma_wait3A_29 = arith.constant 512 : i32
    %dma_wait3A_30 = tpu.memref_slice %arg7[%dma_wait3A_29] : memref<1024xi32, #tpu.memory_space<vmem>> -> memref<512xi32, #tpu.memory_space<vmem>>
    %dma_wait3A_31 = tpu.memref_slice %arg5[%mul3A_2] : memref<16384xi32, #tpu.memory_space<hbm>> -> memref<512xi32, #tpu.memory_space<hbm>>
    tpu.wait_dma2 semaphore(%arg12 : memref<!tpu.dma_semaphore, #tpu.memory_space<semaphore_mem>>) src(%dma_wait3A_31 : memref<512xi32, #tpu.memory_space<hbm>>) dst(%dma_wait3A_30 : memref<512xi32, #tpu.memory_space<vmem>>)
    %barrier3A = arith.constant 0 : index
    tpu.barrier barrier_id(%barrier3A)
    %dma_start3A_32 = arith.constant 0 : i32
    %dma_start3A_33 = arith.constant 0 : i32
    %dma_start3A_34 = tpu.memref_slice %arg8[%dma_start3A_32, %dma_start3A_33] : memref<512x8xf32, #tpu.memory_space<vmem>> -> memref<128x8xf32, #tpu.memory_space<vmem>>
    %dma_start3A_35 = arith.constant 0 : i32
    %dma_start3A_36 = tpu.memref_slice %arg7[%dma_start3A_35] : memref<1024xi32, #tpu.memory_space<vmem>> -> memref<128xi32, #tpu.memory_space<vmem>>
    %dma_start3A_37 = arith.constant 0 : i32
    %dma_start3A_38 = arith.constant 0 : i32
    %dma_start3A_39 = tpu.memref_slice %arg10[%dma_start3A_37, %dma_start3A_38] : memref<500x8xf32, #tpu.memory_space<vmem_shared>> -> memref<500x8xf32, #tpu.memory_space<vmem_shared>>
    tpu.enqueue_indirect_dma source(%dma_start3A_39 : memref<500x8xf32, #tpu.memory_space<vmem_shared>>) target(%dma_start3A_34 : memref<128x8xf32, #tpu.memory_space<vmem>>) offsets(%dma_start3A_36 : memref<128xi32, #tpu.memory_space<vmem>>) semaphore(%arg12 : memref<!tpu.dma_semaphore, #tpu.memory_space<semaphore_mem>>)
    %dma_start3A_40 = arith.constant 0 : i32
    %dma_start3A_41 = arith.constant 0 : i32
    %dma_start3A_42 = tpu.memref_slice %arg9[%dma_start3A_40, %dma_start3A_41] : memref<512x16xf32, #tpu.memory_space<vmem>> -> memref<128x16xf32, #tpu.memory_space<vmem>>
    %dma_start3A_43 = arith.constant 512 : i32
    %dma_start3A_44 = tpu.memref_slice %arg7[%dma_start3A_43] : memref<1024xi32, #tpu.memory_space<vmem>> -> memref<128xi32, #tpu.memory_space<vmem>>
    %dma_start3A_45 = arith.constant 0 : i32
    %dma_start3A_46 = arith.constant 0 : i32
    %dma_start3A_47 = tpu.memref_slice %arg11[%dma_start3A_45, %dma_start3A_46] : memref<3200x16xf32, #tpu.memory_space<vmem_shared>> -> memref<3200x16xf32, #tpu.memory_space<vmem_shared>>
    tpu.enqueue_indirect_dma source(%dma_start3A_47 : memref<3200x16xf32, #tpu.memory_space<vmem_shared>>) target(%dma_start3A_42 : memref<128x16xf32, #tpu.memory_space<vmem>>) offsets(%dma_start3A_44 : memref<128xi32, #tpu.memory_space<vmem>>) semaphore(%arg12 : memref<!tpu.dma_semaphore, #tpu.memory_space<semaphore_mem>>)
    %dma_start3A_48 = arith.constant 128 : i32
    %dma_start3A_49 = arith.constant 0 : i32
    %dma_start3A_50 = tpu.memref_slice %arg8[%dma_start3A_48, %dma_start3A_49] : memref<512x8xf32, #tpu.memory_space<vmem>> -> memref<128x8xf32, #tpu.memory_space<vmem>>
    %dma_start3A_51 = arith.constant 128 : i32
    %dma_start3A_52 = tpu.memref_slice %arg7[%dma_start3A_51] : memref<1024xi32, #tpu.memory_space<vmem>> -> memref<128xi32, #tpu.memory_space<vmem>>
    %dma_start3A_53 = arith.constant 0 : i32
    %dma_start3A_54 = arith.constant 0 : i32
    %dma_start3A_55 = tpu.memref_slice %arg10[%dma_start3A_53, %dma_start3A_54] : memref<500x8xf32, #tpu.memory_space<vmem_shared>> -> memref<500x8xf32, #tpu.memory_space<vmem_shared>>
    tpu.enqueue_indirect_dma source(%dma_start3A_55 : memref<500x8xf32, #tpu.memory_space<vmem_shared>>) target(%dma_start3A_50 : memref<128x8xf32, #tpu.memory_space<vmem>>) offsets(%dma_start3A_52 : memref<128xi32, #tpu.memory_space<vmem>>) semaphore(%arg12 : memref<!tpu.dma_semaphore, #tpu.memory_space<semaphore_mem>>)
    %dma_start3A_56 = arith.constant 128 : i32
    %dma_start3A_57 = arith.constant 0 : i32
    %dma_start3A_58 = tpu.memref_slice %arg9[%dma_start3A_56, %dma_start3A_57] : memref<512x16xf32, #tpu.memory_space<vmem>> -> memref<128x16xf32, #tpu.memory_space<vmem>>
    %dma_start3A_59 = arith.constant 640 : i32
    %dma_start3A_60 = tpu.memref_slice %arg7[%dma_start3A_59] : memref<1024xi32, #tpu.memory_space<vmem>> -> memref<128xi32, #tpu.memory_space<vmem>>
    %dma_start3A_61 = arith.constant 0 : i32
    %dma_start3A_62 = arith.constant 0 : i32
    %dma_start3A_63 = tpu.memref_slice %arg11[%dma_start3A_61, %dma_start3A_62] : memref<3200x16xf32, #tpu.memory_space<vmem_shared>> -> memref<3200x16xf32, #tpu.memory_space<vmem_shared>>
    tpu.enqueue_indirect_dma source(%dma_start3A_63 : memref<3200x16xf32, #tpu.memory_space<vmem_shared>>) target(%dma_start3A_58 : memref<128x16xf32, #tpu.memory_space<vmem>>) offsets(%dma_start3A_60 : memref<128xi32, #tpu.memory_space<vmem>>) semaphore(%arg12 : memref<!tpu.dma_semaphore, #tpu.memory_space<semaphore_mem>>)
    %dma_start3A_64 = arith.constant 256 : i32
    %dma_start3A_65 = arith.constant 0 : i32
    %dma_start3A_66 = tpu.memref_slice %arg8[%dma_start3A_64, %dma_start3A_65] : memref<512x8xf32, #tpu.memory_space<vmem>> -> memref<128x8xf32, #tpu.memory_space<vmem>>
    %dma_start3A_67 = arith.constant 256 : i32
    %dma_start3A_68 = tpu.memref_slice %arg7[%dma_start3A_67] : memref<1024xi32, #tpu.memory_space<vmem>> -> memref<128xi32, #tpu.memory_space<vmem>>
    %dma_start3A_69 = arith.constant 0 : i32
    %dma_start3A_70 = arith.constant 0 : i32
    %dma_start3A_71 = tpu.memref_slice %arg10[%dma_start3A_69, %dma_start3A_70] : memref<500x8xf32, #tpu.memory_space<vmem_shared>> -> memref<500x8xf32, #tpu.memory_space<vmem_shared>>
    tpu.enqueue_indirect_dma source(%dma_start3A_71 : memref<500x8xf32, #tpu.memory_space<vmem_shared>>) target(%dma_start3A_66 : memref<128x8xf32, #tpu.memory_space<vmem>>) offsets(%dma_start3A_68 : memref<128xi32, #tpu.memory_space<vmem>>) semaphore(%arg12 : memref<!tpu.dma_semaphore, #tpu.memory_space<semaphore_mem>>)
    %dma_start3A_72 = arith.constant 256 : i32
    %dma_start3A_73 = arith.constant 0 : i32
    %dma_start3A_74 = tpu.memref_slice %arg9[%dma_start3A_72, %dma_start3A_73] : memref<512x16xf32, #tpu.memory_space<vmem>> -> memref<128x16xf32, #tpu.memory_space<vmem>>
    %dma_start3A_75 = arith.constant 768 : i32
    %dma_start3A_76 = tpu.memref_slice %arg7[%dma_start3A_75] : memref<1024xi32, #tpu.memory_space<vmem>> -> memref<128xi32, #tpu.memory_space<vmem>>
    %dma_start3A_77 = arith.constant 0 : i32
    %dma_start3A_78 = arith.constant 0 : i32
    %dma_start3A_79 = tpu.memref_slice %arg11[%dma_start3A_77, %dma_start3A_78] : memref<3200x16xf32, #tpu.memory_space<vmem_shared>> -> memref<3200x16xf32, #tpu.memory_space<vmem_shared>>
    tpu.enqueue_indirect_dma source(%dma_start3A_79 : memref<3200x16xf32, #tpu.memory_space<vmem_shared>>) target(%dma_start3A_74 : memref<128x16xf32, #tpu.memory_space<vmem>>) offsets(%dma_start3A_76 : memref<128xi32, #tpu.memory_space<vmem>>) semaphore(%arg12 : memref<!tpu.dma_semaphore, #tpu.memory_space<semaphore_mem>>)
    %dma_start3A_80 = arith.constant 384 : i32
    %dma_start3A_81 = arith.constant 0 : i32
    %dma_start3A_82 = tpu.memref_slice %arg8[%dma_start3A_80, %dma_start3A_81] : memref<512x8xf32, #tpu.memory_space<vmem>> -> memref<128x8xf32, #tpu.memory_space<vmem>>
    %dma_start3A_83 = arith.constant 384 : i32
    %dma_start3A_84 = tpu.memref_slice %arg7[%dma_start3A_83] : memref<1024xi32, #tpu.memory_space<vmem>> -> memref<128xi32, #tpu.memory_space<vmem>>
    %dma_start3A_85 = arith.constant 0 : i32
    %dma_start3A_86 = arith.constant 0 : i32
    %dma_start3A_87 = tpu.memref_slice %arg10[%dma_start3A_85, %dma_start3A_86] : memref<500x8xf32, #tpu.memory_space<vmem_shared>> -> memref<500x8xf32, #tpu.memory_space<vmem_shared>>
    tpu.enqueue_indirect_dma source(%dma_start3A_87 : memref<500x8xf32, #tpu.memory_space<vmem_shared>>) target(%dma_start3A_82 : memref<128x8xf32, #tpu.memory_space<vmem>>) offsets(%dma_start3A_84 : memref<128xi32, #tpu.memory_space<vmem>>) semaphore(%arg12 : memref<!tpu.dma_semaphore, #tpu.memory_space<semaphore_mem>>)
    %dma_start3A_88 = arith.constant 384 : i32
    %dma_start3A_89 = arith.constant 0 : i32
    %dma_start3A_90 = tpu.memref_slice %arg9[%dma_start3A_88, %dma_start3A_89] : memref<512x16xf32, #tpu.memory_space<vmem>> -> memref<128x16xf32, #tpu.memory_space<vmem>>
    %dma_start3A_91 = arith.constant 896 : i32
    %dma_start3A_92 = tpu.memref_slice %arg7[%dma_start3A_91] : memref<1024xi32, #tpu.memory_space<vmem>> -> memref<128xi32, #tpu.memory_space<vmem>>
    %dma_start3A_93 = arith.constant 0 : i32
    %dma_start3A_94 = arith.constant 0 : i32
    %dma_start3A_95 = tpu.memref_slice %arg11[%dma_start3A_93, %dma_start3A_94] : memref<3200x16xf32, #tpu.memory_space<vmem_shared>> -> memref<3200x16xf32, #tpu.memory_space<vmem_shared>>
    tpu.enqueue_indirect_dma source(%dma_start3A_95 : memref<3200x16xf32, #tpu.memory_space<vmem_shared>>) target(%dma_start3A_90 : memref<128x16xf32, #tpu.memory_space<vmem>>) offsets(%dma_start3A_92 : memref<128xi32, #tpu.memory_space<vmem>>) semaphore(%arg12 : memref<!tpu.dma_semaphore, #tpu.memory_space<semaphore_mem>>)
    %dma_wait3A_96 = arith.constant 0 : i32
    %dma_wait3A_97 = arith.constant 0 : i32
    %dma_wait3A_98 = tpu.memref_slice %arg8[%dma_wait3A_96, %dma_wait3A_97] : memref<512x8xf32, #tpu.memory_space<vmem>> -> memref<128x8xf32, #tpu.memory_space<vmem>>
    %dma_wait3A_99 = arith.constant 0 : i32
    %dma_wait3A_100 = tpu.memref_slice %arg7[%dma_wait3A_99] : memref<1024xi32, #tpu.memory_space<vmem>> -> memref<128xi32, #tpu.memory_space<vmem>>
    %dma_wait3A_101 = arith.constant 0 : i32
    %dma_wait3A_102 = arith.constant 0 : i32
    %dma_wait3A_103 = tpu.memref_slice %arg10[%dma_wait3A_101, %dma_wait3A_102] : memref<500x8xf32, #tpu.memory_space<vmem_shared>> -> memref<500x8xf32, #tpu.memory_space<vmem_shared>>
    tpu.wait_indirect_dma semaphore(%arg12 : memref<!tpu.dma_semaphore, #tpu.memory_space<semaphore_mem>>) src(%dma_wait3A_103 : memref<500x8xf32, #tpu.memory_space<vmem_shared>>) dst(%dma_wait3A_98 : memref<128x8xf32, #tpu.memory_space<vmem>>)
    %dma_wait3A_104 = arith.constant 0 : i32
    %dma_wait3A_105 = arith.constant 0 : i32
    %dma_wait3A_106 = tpu.memref_slice %arg9[%dma_wait3A_104, %dma_wait3A_105] : memref<512x16xf32, #tpu.memory_space<vmem>> -> memref<128x16xf32, #tpu.memory_space<vmem>>
    %dma_wait3A_107 = arith.constant 512 : i32
    %dma_wait3A_108 = tpu.memref_slice %arg7[%dma_wait3A_107] : memref<1024xi32, #tpu.memory_space<vmem>> -> memref<128xi32, #tpu.memory_space<vmem>>
    %dma_wait3A_109 = arith.constant 0 : i32
    %dma_wait3A_110 = arith.constant 0 : i32
    %dma_wait3A_111 = tpu.memref_slice %arg11[%dma_wait3A_109, %dma_wait3A_110] : memref<3200x16xf32, #tpu.memory_space<vmem_shared>> -> memref<3200x16xf32, #tpu.memory_space<vmem_shared>>
    tpu.wait_indirect_dma semaphore(%arg12 : memref<!tpu.dma_semaphore, #tpu.memory_space<semaphore_mem>>) src(%dma_wait3A_111 : memref<3200x16xf32, #tpu.memory_space<vmem_shared>>) dst(%dma_wait3A_106 : memref<128x16xf32, #tpu.memory_space<vmem>>)
    %dma_wait3A_112 = arith.constant 128 : i32
    %dma_wait3A_113 = arith.constant 0 : i32
    %dma_wait3A_114 = tpu.memref_slice %arg8[%dma_wait3A_112, %dma_wait3A_113] : memref<512x8xf32, #tpu.memory_space<vmem>> -> memref<128x8xf32, #tpu.memory_space<vmem>>
    %dma_wait3A_115 = arith.constant 128 : i32
    %dma_wait3A_116 = tpu.memref_slice %arg7[%dma_wait3A_115] : memref<1024xi32, #tpu.memory_space<vmem>> -> memref<128xi32, #tpu.memory_space<vmem>>
    %dma_wait3A_117 = arith.constant 0 : i32
    %dma_wait3A_118 = arith.constant 0 : i32
    %dma_wait3A_119 = tpu.memref_slice %arg10[%dma_wait3A_117, %dma_wait3A_118] : memref<500x8xf32, #tpu.memory_space<vmem_shared>> -> memref<500x8xf32, #tpu.memory_space<vmem_shared>>
    tpu.wait_indirect_dma semaphore(%arg12 : memref<!tpu.dma_semaphore, #tpu.memory_space<semaphore_mem>>) src(%dma_wait3A_119 : memref<500x8xf32, #tpu.memory_space<vmem_shared>>) dst(%dma_wait3A_114 : memref<128x8xf32, #tpu.memory_space<vmem>>)
    %dma_wait3A_120 = arith.constant 128 : i32
    %dma_wait3A_121 = arith.constant 0 : i32
    %dma_wait3A_122 = tpu.memref_slice %arg9[%dma_wait3A_120, %dma_wait3A_121] : memref<512x16xf32, #tpu.memory_space<vmem>> -> memref<128x16xf32, #tpu.memory_space<vmem>>
    %dma_wait3A_123 = arith.constant 640 : i32
    %dma_wait3A_124 = tpu.memref_slice %arg7[%dma_wait3A_123] : memref<1024xi32, #tpu.memory_space<vmem>> -> memref<128xi32, #tpu.memory_space<vmem>>
    %dma_wait3A_125 = arith.constant 0 : i32
    %dma_wait3A_126 = arith.constant 0 : i32
    %dma_wait3A_127 = tpu.memref_slice %arg11[%dma_wait3A_125, %dma_wait3A_126] : memref<3200x16xf32, #tpu.memory_space<vmem_shared>> -> memref<3200x16xf32, #tpu.memory_space<vmem_shared>>
    tpu.wait_indirect_dma semaphore(%arg12 : memref<!tpu.dma_semaphore, #tpu.memory_space<semaphore_mem>>) src(%dma_wait3A_127 : memref<3200x16xf32, #tpu.memory_space<vmem_shared>>) dst(%dma_wait3A_122 : memref<128x16xf32, #tpu.memory_space<vmem>>)
    %dma_wait3A_128 = arith.constant 256 : i32
    %dma_wait3A_129 = arith.constant 0 : i32
    %dma_wait3A_130 = tpu.memref_slice %arg8[%dma_wait3A_128, %dma_wait3A_129] : memref<512x8xf32, #tpu.memory_space<vmem>> -> memref<128x8xf32, #tpu.memory_space<vmem>>
    %dma_wait3A_131 = arith.constant 256 : i32
    %dma_wait3A_132 = tpu.memref_slice %arg7[%dma_wait3A_131] : memref<1024xi32, #tpu.memory_space<vmem>> -> memref<128xi32, #tpu.memory_space<vmem>>
    %dma_wait3A_133 = arith.constant 0 : i32
    %dma_wait3A_134 = arith.constant 0 : i32
    %dma_wait3A_135 = tpu.memref_slice %arg10[%dma_wait3A_133, %dma_wait3A_134] : memref<500x8xf32, #tpu.memory_space<vmem_shared>> -> memref<500x8xf32, #tpu.memory_space<vmem_shared>>
    tpu.wait_indirect_dma semaphore(%arg12 : memref<!tpu.dma_semaphore, #tpu.memory_space<semaphore_mem>>) src(%dma_wait3A_135 : memref<500x8xf32, #tpu.memory_space<vmem_shared>>) dst(%dma_wait3A_130 : memref<128x8xf32, #tpu.memory_space<vmem>>)
    %dma_wait3A_136 = arith.constant 256 : i32
    %dma_wait3A_137 = arith.constant 0 : i32
    %dma_wait3A_138 = tpu.memref_slice %arg9[%dma_wait3A_136, %dma_wait3A_137] : memref<512x16xf32, #tpu.memory_space<vmem>> -> memref<128x16xf32, #tpu.memory_space<vmem>>
    %dma_wait3A_139 = arith.constant 768 : i32
    %dma_wait3A_140 = tpu.memref_slice %arg7[%dma_wait3A_139] : memref<1024xi32, #tpu.memory_space<vmem>> -> memref<128xi32, #tpu.memory_space<vmem>>
    %dma_wait3A_141 = arith.constant 0 : i32
    %dma_wait3A_142 = arith.constant 0 : i32
    %dma_wait3A_143 = tpu.memref_slice %arg11[%dma_wait3A_141, %dma_wait3A_142] : memref<3200x16xf32, #tpu.memory_space<vmem_shared>> -> memref<3200x16xf32, #tpu.memory_space<vmem_shared>>
    tpu.wait_indirect_dma semaphore(%arg12 : memref<!tpu.dma_semaphore, #tpu.memory_space<semaphore_mem>>) src(%dma_wait3A_143 : memref<3200x16xf32, #tpu.memory_space<vmem_shared>>) dst(%dma_wait3A_138 : memref<128x16xf32, #tpu.memory_space<vmem>>)
    %dma_wait3A_144 = arith.constant 384 : i32
    %dma_wait3A_145 = arith.constant 0 : i32
    %dma_wait3A_146 = tpu.memref_slice %arg8[%dma_wait3A_144, %dma_wait3A_145] : memref<512x8xf32, #tpu.memory_space<vmem>> -> memref<128x8xf32, #tpu.memory_space<vmem>>
    %dma_wait3A_147 = arith.constant 384 : i32
    %dma_wait3A_148 = tpu.memref_slice %arg7[%dma_wait3A_147] : memref<1024xi32, #tpu.memory_space<vmem>> -> memref<128xi32, #tpu.memory_space<vmem>>
    %dma_wait3A_149 = arith.constant 0 : i32
    %dma_wait3A_150 = arith.constant 0 : i32
    %dma_wait3A_151 = tpu.memref_slice %arg10[%dma_wait3A_149, %dma_wait3A_150] : memref<500x8xf32, #tpu.memory_space<vmem_shared>> -> memref<500x8xf32, #tpu.memory_space<vmem_shared>>
    tpu.wait_indirect_dma semaphore(%arg12 : memref<!tpu.dma_semaphore, #tpu.memory_space<semaphore_mem>>) src(%dma_wait3A_151 : memref<500x8xf32, #tpu.memory_space<vmem_shared>>) dst(%dma_wait3A_146 : memref<128x8xf32, #tpu.memory_space<vmem>>)
    %dma_wait3A_152 = arith.constant 384 : i32
    %dma_wait3A_153 = arith.constant 0 : i32
    %dma_wait3A_154 = tpu.memref_slice %arg9[%dma_wait3A_152, %dma_wait3A_153] : memref<512x16xf32, #tpu.memory_space<vmem>> -> memref<128x16xf32, #tpu.memory_space<vmem>>
    %dma_wait3A_155 = arith.constant 896 : i32
    %dma_wait3A_156 = tpu.memref_slice %arg7[%dma_wait3A_155] : memref<1024xi32, #tpu.memory_space<vmem>> -> memref<128xi32, #tpu.memory_space<vmem>>
    %dma_wait3A_157 = arith.constant 0 : i32
    %dma_wait3A_158 = arith.constant 0 : i32
    %dma_wait3A_159 = tpu.memref_slice %arg11[%dma_wait3A_157, %dma_wait3A_158] : memref<3200x16xf32, #tpu.memory_space<vmem_shared>> -> memref<3200x16xf32, #tpu.memory_space<vmem_shared>>
    tpu.wait_indirect_dma semaphore(%arg12 : memref<!tpu.dma_semaphore, #tpu.memory_space<semaphore_mem>>) src(%dma_wait3A_159 : memref<3200x16xf32, #tpu.memory_space<vmem_shared>>) dst(%dma_wait3A_154 : memref<128x16xf32, #tpu.memory_space<vmem>>)
    %dma_start3A_160 = arith.constant 8 : i32
    %dma_start3A_161 = tpu.memref_slice %arg6[%mul3A_2, %dma_start3A_160] : memref<16384x128xf32, #tpu.memory_space<hbm>> -> memref<512x8xf32, #tpu.memory_space<hbm>>
    %dma_start3A_162 = arith.constant 8 : i32
    %dma_start3A_163 = tpu.memref_slice %arg6[%mul3A_2, %dma_start3A_162] : memref<16384x128xf32, #tpu.memory_space<hbm>> -> memref<512x8xf32, #tpu.memory_space<hbm>>
    tpu.enqueue_dma source(%arg8 : memref<512x8xf32, #tpu.memory_space<vmem>>) target(%dma_start3A_163 : memref<512x8xf32, #tpu.memory_space<hbm>>) target_semaphore(%arg12 : memref<!tpu.dma_semaphore, #tpu.memory_space<semaphore_mem>>)
    %dma_start3A_164 = arith.constant 16 : i32
    %dma_start3A_165 = tpu.memref_slice %arg6[%mul3A_2, %dma_start3A_164] : memref<16384x128xf32, #tpu.memory_space<hbm>> -> memref<512x16xf32, #tpu.memory_space<hbm>>
    %dma_start3A_166 = arith.constant 16 : i32
    %dma_start3A_167 = tpu.memref_slice %arg6[%mul3A_2, %dma_start3A_166] : memref<16384x128xf32, #tpu.memory_space<hbm>> -> memref<512x16xf32, #tpu.memory_space<hbm>>
    tpu.enqueue_dma source(%arg9 : memref<512x16xf32, #tpu.memory_space<vmem>>) target(%dma_start3A_167 : memref<512x16xf32, #tpu.memory_space<hbm>>) target_semaphore(%arg12 : memref<!tpu.dma_semaphore, #tpu.memory_space<semaphore_mem>>)
    %dma_wait3A_168 = arith.constant 8 : i32
    %dma_wait3A_169 = tpu.memref_slice %arg6[%mul3A_2, %dma_wait3A_168] : memref<16384x128xf32, #tpu.memory_space<hbm>> -> memref<512x8xf32, #tpu.memory_space<hbm>>
    %dma_wait3A_170 = arith.constant 8 : i32
    %dma_wait3A_171 = tpu.memref_slice %arg6[%mul3A_2, %dma_wait3A_170] : memref<16384x128xf32, #tpu.memory_space<hbm>> -> memref<512x8xf32, #tpu.memory_space<hbm>>
    tpu.wait_dma2 semaphore(%arg12 : memref<!tpu.dma_semaphore, #tpu.memory_space<semaphore_mem>>) src(%arg8 : memref<512x8xf32, #tpu.memory_space<vmem>>) dst(%dma_wait3A_171 : memref<512x8xf32, #tpu.memory_space<hbm>>)
    %dma_wait3A_172 = arith.constant 16 : i32
    %dma_wait3A_173 = tpu.memref_slice %arg6[%mul3A_2, %dma_wait3A_172] : memref<16384x128xf32, #tpu.memory_space<hbm>> -> memref<512x16xf32, #tpu.memory_space<hbm>>
    %dma_wait3A_174 = arith.constant 16 : i32
    %dma_wait3A_175 = tpu.memref_slice %arg6[%mul3A_2, %dma_wait3A_174] : memref<16384x128xf32, #tpu.memory_space<hbm>> -> memref<512x16xf32, #tpu.memory_space<hbm>>
    tpu.wait_dma2 semaphore(%arg12 : memref<!tpu.dma_semaphore, #tpu.memory_space<semaphore_mem>>) src(%arg9 : memref<512x16xf32, #tpu.memory_space<vmem>>) dst(%dma_wait3A_175 : memref<512x16xf32, #tpu.memory_space<hbm>>)
    return
  }
}

module attributes {stable_mosaic.version = 14 : i64} {
  func.func @_mlp_body(%arg0: i32, %arg1: memref<4096x7xf32, #tpu.memory_space<vmem>>, %arg2: memref<4096x128xf32, #tpu.memory_space<vmem>>, %arg3: memref<4096xi32, #tpu.memory_space<vmem>>, %arg4: memref<3x2xf32, #tpu.memory_space<vmem>>, %arg5: memref<33x128xf32, #tpu.memory_space<vmem>>, %arg6: memref<128xf32, #tpu.memory_space<vmem>>, %arg7: memref<128x64xf32, #tpu.memory_space<vmem>>, %arg8: memref<64xf32, #tpu.memory_space<vmem>>, %arg9: memref<64x1xf32, #tpu.memory_space<vmem>>, %arg10: memref<1xf32, #tpu.memory_space<vmem>>, %arg11: memref<32x128xf32, #tpu.memory_space<vmem>>) attributes {dimension_semantics = [#tpu.dimension_semantics<arbitrary>], iteration_bounds = array<i64: 4>, scalar_prefetch = 0 : i64, scratch_operands = 0 : i64, tpu.core_type = #tpu.core_type<tc>, window_params = [{transform_indices = @transform_0, window_bounds = array<i64: 4096, 7>}, {transform_indices = @transform_1, window_bounds = array<i64: 4096, 128>}, {transform_indices = @transform_2, window_bounds = array<i64: 4096>}, {pipeline_mode = #tpu.pipeline_mode<synchronous>, transform_indices = @transform_3, window_bounds = array<i64: 3, 2>}, {pipeline_mode = #tpu.pipeline_mode<synchronous>, transform_indices = @transform_4, window_bounds = array<i64: 33, 128>}, {pipeline_mode = #tpu.pipeline_mode<synchronous>, transform_indices = @transform_5, window_bounds = array<i64: 128>}, {pipeline_mode = #tpu.pipeline_mode<synchronous>, transform_indices = @transform_6, window_bounds = array<i64: 128, 64>}, {pipeline_mode = #tpu.pipeline_mode<synchronous>, transform_indices = @transform_7, window_bounds = array<i64: 64>}, {pipeline_mode = #tpu.pipeline_mode<synchronous>, transform_indices = @transform_8, window_bounds = array<i64: 64, 1>}, {pipeline_mode = #tpu.pipeline_mode<synchronous>, transform_indices = @transform_9, window_bounds = array<i64: 1>}, {transform_indices = @transform_10, window_bounds = array<i64: 32, 128>}]} {
    %get3A = arith.constant 0 : index
    %get3A_0 = arith.constant 0 : index
    %get3A_1 = vector.load %arg4[%get3A, %get3A_0] : memref<3x2xf32, #tpu.memory_space<vmem>>, vector<3x2xf32>
    %get3A_2 = arith.constant 31 : index
    %get3A_3 = arith.constant 0 : index
    %get3A_4 = vector.load %arg5[%get3A_2, %get3A_3] : memref<33x128xf32, #tpu.memory_space<vmem>>, vector<2x128xf32>
    %dot_general3A = arith.constant dense<0.000000e+00> : vector<3x128xf32>
    %dot_general3A_5 = tpu.matmul %get3A_1, %get3A_4, %dot_general3A {dimension_numbers = #tpu.dot_dimension_numbers<[1], [0], [0], [1], [0, 0, 1, 1], [], []>, transpose_lhs_hint = false} : vector<3x2xf32>, vector<2x128xf32>, vector<3x128xf32> -> vector<3x128xf32>
    %get3A_6 = arith.constant 0 : index
    %get3A_7 = vector.load %arg3[%get3A_6] : memref<4096xi32, #tpu.memory_space<vmem>>, vector<4096xi32>
    %broadcast_in_dim3A = vector.shape_cast %get3A_7 : vector<4096xi32> to vector<4096x1xi32>
    %iota3A = tpu.iota {dimensions = array<i32: 1>} : vector<4096x3xi32>
    %eq3A = vector.broadcast %broadcast_in_dim3A : vector<4096x1xi32> to vector<4096x3xi32>
    %eq3A_8 = arith.cmpi eq, %eq3A, %iota3A : vector<4096x3xi32>
    %convert_element_type3A = arith.extui %eq3A_8 : vector<4096x3xi1> to vector<4096x3xi32>
    %convert_element_type3A_9 = arith.sitofp %convert_element_type3A : vector<4096x3xi32> to vector<4096x3xf32>
    %get3A_10 = arith.constant 0 : index
    %get3A_11 = arith.constant 0 : index
    %get3A_12 = vector.load %arg1[%get3A_10, %get3A_11] : memref<4096x7xf32, #tpu.memory_space<vmem>>, vector<4096x7xf32>
    %get3A_13 = arith.constant 0 : index
    %get3A_14 = arith.constant 0 : index
    %get3A_15 = vector.load %arg5[%get3A_13, %get3A_14] : memref<33x128xf32, #tpu.memory_space<vmem>>, vector<7x128xf32>
    %dot_general3A_16 = arith.constant dense<0.000000e+00> : vector<4096x128xf32>
    %dot_general3A_17 = tpu.matmul %get3A_12, %get3A_15, %dot_general3A_16 {dimension_numbers = #tpu.dot_dimension_numbers<[1], [0], [0], [1], [0, 0, 1, 1], [], []>, transpose_lhs_hint = false} : vector<4096x7xf32>, vector<7x128xf32>, vector<4096x128xf32> -> vector<4096x128xf32>
    %get3A_18 = arith.constant 0 : index
    %get3A_19 = arith.constant 0 : index
    %get3A_20 = vector.load %arg2[%get3A_18, %get3A_19] : memref<4096x128xf32, #tpu.memory_space<vmem>>, vector<4096x128xf32>
    %slice3A = vector.extract_strided_slice %get3A_20 {offsets = [0, 8], sizes = [4096, 24], strides = [1, 1]} : vector<4096x128xf32> to vector<4096x24xf32>
    %get3A_21 = arith.constant 7 : index
    %get3A_22 = arith.constant 0 : index
    %get3A_23 = vector.load %arg5[%get3A_21, %get3A_22] : memref<33x128xf32, #tpu.memory_space<vmem>>, vector<24x128xf32>
    %dot_general3A_24 = arith.constant dense<0.000000e+00> : vector<4096x128xf32>
    %dot_general3A_25 = tpu.matmul %slice3A, %get3A_23, %dot_general3A_24 {dimension_numbers = #tpu.dot_dimension_numbers<[1], [0], [0], [1], [0, 0, 1, 1], [], []>, transpose_lhs_hint = false} : vector<4096x24xf32>, vector<24x128xf32>, vector<4096x128xf32> -> vector<4096x128xf32>
    %add3A = arith.addf %dot_general3A_17, %dot_general3A_25 : vector<4096x128xf32>
    %dot_general3A_26 = arith.constant dense<0.000000e+00> : vector<4096x128xf32>
    %dot_general3A_27 = tpu.matmul %convert_element_type3A_9, %dot_general3A_5, %dot_general3A_26 {dimension_numbers = #tpu.dot_dimension_numbers<[1], [0], [0], [1], [0, 0, 1, 1], [], []>, transpose_lhs_hint = false} : vector<4096x3xf32>, vector<3x128xf32>, vector<4096x128xf32> -> vector<4096x128xf32>
    %add3A_28 = arith.addf %add3A, %dot_general3A_27 : vector<4096x128xf32>
    %get3A_29 = arith.constant 0 : index
    %get3A_30 = vector.load %arg6[%get3A_29] : memref<128xf32, #tpu.memory_space<vmem>>, vector<128xf32>
    %broadcast_in_dim3A_31 = vector.shape_cast %get3A_30 : vector<128xf32> to vector<1x128xf32>
    %add3A_32 = vector.broadcast %broadcast_in_dim3A_31 : vector<1x128xf32> to vector<4096x128xf32>
    %add3A_33 = arith.addf %add3A_28, %add3A_32 : vector<4096x128xf32>
    %max3A = arith.constant 0.000000e+00 : f32
    %max3A_34 = vector.broadcast %max3A : f32 to vector<4096x128xf32>
    %max3A_35 = arith.maximumf %add3A_33, %max3A_34 : vector<4096x128xf32>
    %get3A_36 = arith.constant 0 : index
    %get3A_37 = arith.constant 0 : index
    %get3A_38 = vector.load %arg7[%get3A_36, %get3A_37] : memref<128x64xf32, #tpu.memory_space<vmem>>, vector<128x64xf32>
    %dot_general3A_39 = arith.constant dense<0.000000e+00> : vector<4096x64xf32>
    %dot_general3A_40 = tpu.matmul %max3A_35, %get3A_38, %dot_general3A_39 {dimension_numbers = #tpu.dot_dimension_numbers<[1], [0], [0], [1], [0, 0, 1, 1], [], []>, transpose_lhs_hint = false} : vector<4096x128xf32>, vector<128x64xf32>, vector<4096x64xf32> -> vector<4096x64xf32>
    %get3A_41 = arith.constant 0 : index
    %get3A_42 = vector.load %arg8[%get3A_41] : memref<64xf32, #tpu.memory_space<vmem>>, vector<64xf32>
    %broadcast_in_dim3A_43 = vector.shape_cast %get3A_42 : vector<64xf32> to vector<1x64xf32>
    %add3A_44 = vector.broadcast %broadcast_in_dim3A_43 : vector<1x64xf32> to vector<4096x64xf32>
    %add3A_45 = arith.addf %dot_general3A_40, %add3A_44 : vector<4096x64xf32>
    %max3A_46 = arith.constant 0.000000e+00 : f32
    %max3A_47 = vector.broadcast %max3A_46 : f32 to vector<4096x64xf32>
    %max3A_48 = arith.maximumf %add3A_45, %max3A_47 : vector<4096x64xf32>
    %get3A_49 = arith.constant 0 : index
    %get3A_50 = arith.constant 0 : index
    %get3A_51 = vector.load %arg9[%get3A_49, %get3A_50] : memref<64x1xf32, #tpu.memory_space<vmem>>, vector<64x1xf32>
    %dot_general3A_52 = arith.constant dense<0.000000e+00> : vector<4096x1xf32>
    %dot_general3A_53 = tpu.matmul %max3A_48, %get3A_51, %dot_general3A_52 {dimension_numbers = #tpu.dot_dimension_numbers<[1], [0], [0], [1], [0, 0, 1, 1], [], []>, transpose_lhs_hint = false} : vector<4096x64xf32>, vector<64x1xf32>, vector<4096x1xf32> -> vector<4096x1xf32>
    %get3A_54 = arith.constant 0 : index
    %get3A_55 = vector.load %arg10[%get3A_54] : memref<1xf32, #tpu.memory_space<vmem>>, vector<1xf32>
    %get3A_56 = vector.extract %get3A_55[0] : f32 from vector<1xf32>
    %add3A_57 = vector.broadcast %get3A_56 : f32 to vector<4096x1xf32>
    %add3A_58 = arith.addf %dot_general3A_53, %add3A_57 : vector<4096x1xf32>
    %transpose3A = tpu.transpose %add3A_58, [1, 0] : vector<4096x1xf32> -> vector<1x4096xf32>
    %reshape3A = vector.shape_cast %transpose3A : vector<1x4096xf32> to vector<32x128xf32>
    %swap3A = arith.constant 0 : index
    %swap3A_59 = arith.constant 0 : index
    %swap3A_60 = vector.load %arg11[%swap3A, %swap3A_59] : memref<32x128xf32, #tpu.memory_space<vmem>>, vector<32x128xf32>
    tpu.vector_store %arg11[%swap3A, %swap3A_59], %reshape3A {strides = array<i32>} : memref<32x128xf32, #tpu.memory_space<vmem>>, vector<32x128xf32>,
    return
  }
  func.func @transform_0(%arg0: i32) -> (i32, i32) {
    %c0_i32 = arith.constant 0 : i32
    %c0_i32_0 = arith.constant 0 : i32
    return %arg0, %c0_i32 : i32, i32
  }
  func.func @transform_1(%arg0: i32) -> (i32, i32) {
    %c0_i32 = arith.constant 0 : i32
    %c0_i32_0 = arith.constant 0 : i32
    return %arg0, %c0_i32 : i32, i32
  }
  func.func @transform_2(%arg0: i32) -> i32 {
    %c0_i32 = arith.constant 0 : i32
    return %arg0 : i32
  }
  func.func @transform_3(%arg0: i32) -> (i32, i32) {
    %c0_i32 = arith.constant 0 : i32
    %c0_i32_0 = arith.constant 0 : i32
    %c0_i32_1 = arith.constant 0 : i32
    return %c0_i32, %c0_i32_0 : i32, i32
  }
  func.func @transform_4(%arg0: i32) -> (i32, i32) {
    %c0_i32 = arith.constant 0 : i32
    %c0_i32_0 = arith.constant 0 : i32
    %c0_i32_1 = arith.constant 0 : i32
    return %c0_i32, %c0_i32_0 : i32, i32
  }
  func.func @transform_5(%arg0: i32) -> i32 {
    %c0_i32 = arith.constant 0 : i32
    %c0_i32_0 = arith.constant 0 : i32
    return %c0_i32 : i32
  }
  func.func @transform_6(%arg0: i32) -> (i32, i32) {
    %c0_i32 = arith.constant 0 : i32
    %c0_i32_0 = arith.constant 0 : i32
    %c0_i32_1 = arith.constant 0 : i32
    return %c0_i32, %c0_i32_0 : i32, i32
  }
  func.func @transform_7(%arg0: i32) -> i32 {
    %c0_i32 = arith.constant 0 : i32
    %c0_i32_0 = arith.constant 0 : i32
    return %c0_i32 : i32
  }
  func.func @transform_8(%arg0: i32) -> (i32, i32) {
    %c0_i32 = arith.constant 0 : i32
    %c0_i32_0 = arith.constant 0 : i32
    %c0_i32_1 = arith.constant 0 : i32
    return %c0_i32, %c0_i32_0 : i32, i32
  }
  func.func @transform_9(%arg0: i32) -> i32 {
    %c0_i32 = arith.constant 0 : i32
    %c0_i32_0 = arith.constant 0 : i32
    return %c0_i32 : i32
  }
  func.func @transform_10(%arg0: i32) -> (i32, i32) {
    %c0_i32 = arith.constant 0 : i32
    %c0_i32_0 = arith.constant 0 : i32
    return %arg0, %c0_i32 : i32, i32
  }
}

</mosaic_0001>

<sc_bundles>
// kernel: kernel.4.cloned.1.call-start
scs
__scs_entry_jumppad:
0x0: {  	(pc) =	sbr.rel $0x88, $3  }
0x1: {  	(tag) =	ssettag $0x0;
	lr =	simm.s32 $0x1  }
0x2: {  	[smem:$0x3F94] =	sst lr;
	_ =	strace $0xD0000000  }
0x3: {  	_ = 	snop  }
0x4: {  	_ = 	snop  }
0x5: {  	_ = 	snop  }
0x6: {  	_ = 	snop  }
0x7: {  	_ = 	snop  }
__scs_overlays_trampoline_lowered:
0x8: {  	[smem:$0x3FA3] =	sst s0  }
0x9: {  	[smem:$0x3FA4] =	sst s1  }
0xa: {  	[smem:$0x3FA5] =	sst s2  }
0xb: {  	[smem:$0x3FA6] =	sst s3  }
0xc: {  	[smem:$0x3FA7] =	sst s4  }
0xd: {  	[smem:$0x3FA8] =	sst s5  }
0xe: {  	[smem:$0x3FA9] =	sst s6  }
0xf: {  	[smem:$0x3FAA] =	sst s7  }
0x10: {  	[smem:$0x3FAB] =	sst s8  }
0x11: {  	[smem:$0x3FAC] =	sst s9;
	s0 =	simm.s32 @!p0 $0x0  }
0x12: {  	s1 =	sld [smem:$0x3F92];
	s0 =	simm.s32 @p0 $0x1  }
0x13: {  	[smem:$0x3FAD] =	sst s0;
	s0 =	simm.s32 @!p1 $0x0  }
0x14: {  	s2 =	sld [smem:$0x3F91];
	s0 =	simm.s32 @p1 $0x1  }
0x15: {  	[smem:$0x3FAE] =	sst s0;
	s0 =	simm.s32 @!p2 $0x0  }
0x16: {  	s3 =	sld [smem:$0x3FDB];
	s0 =	simm.s32 @p2 $0x1  }
0x17: {  	s4 =	simm.s32 $0x1BF5;
	[smem:$0x3FB0] =	sst s0  }
0x18: {  	s0 =	sld [smem:$0x3F93];
	_ =	swait.ge [sflag:s4], $0x0  }
0x19: {  	s7 =	sld [smem:$0x3F94]  }
0x1a: {  	s8 =	sadd.s32 $0xFFFFE003, lr  }
0x1b: {  	s9 =	sadd.s32 $0xFFFFFEF7, lr;
	s5 =	simm.s32 $0xFFFFFFFF;
	p2 =	slt.u32 s8, $0xFFFFF086  }
0x1c: {  	p1 =	slt.u32 s9, $0xF7A;
	s5 =	simm.s32 @!p2 $0x0  }
0x1d: {  	s5 =	simm.s32 @p1 $0x1;
	p0 =	seq.s32 s7, s2  }
0x1e: {  	s7 =	smul.u32 @!p0 $0xF7A, s2;
	p2 =	seq.s32 @!p0 s5, $0x0  }
0x1f: {  	s9 =	smul.u32 $0xF7A, s1;
	s8 =	simm.s32 @!p0 $0x1BF5;
	p2 =	por !p2, p0  }
0x20: {  	[sflag:s8] =	ssyncset.s32 @!p0 $0xFFFFF086;
	s6 =	sadd.s32 @!p0 s3, s7;
	s7 =	simm.s32 @!p0 $0x108  }
0x21: {  	s3 =	sadd.s32 s3, s9;
	s6 =	sadd.s32 @!p0 $0x88, s6;
	s7 =	simm.s32 @p2 $0x1082  }
0x22: {  	[simem:s7], [sflag:s8] =	dma.local @!p0 [hbm:s6], $0xF7A  }
0x23: {  	s9 =	sor.u32 $0xD0000000, s2;
	s6 =	simm.s32 $0x108;
	_ =	swait.ge @!p0 [sflag:s8], $0x0  }
0x24: {  	s3 =	sadd.s32 $0x88, s3;
	s6 =	simm.s32 @!p1 $0x1082;
	[sflag:s4] =	ssyncset.s32 $0xFFFFF086  }
0x25: {  	[simem:s6], [sflag:s4] =	dma.local [hbm:s3], $0xF7A  }
0x26: {  	[smem:$0x3F94] =	sst s1;
	(tag) =	ssettag s2;
	_ =	strace s9  }
0x27: {  	s1 =	sld [smem:$0x3FA4]  }
0x28: {  	s2 =	sld [smem:$0x3FA5]  }
0x29: {  	s4 =	sld [smem:$0x3FA7]  }
0x2a: {  	p0 =	seq.s32 s5, $0x0;
	s5 =	sld [smem:$0x3FA8]  }
0x2b: {  	s6 =	sld [smem:$0x3FA9]  }
0x2c: {  	s7 =	sld [smem:$0x3FAA]  }
0x2d: {  	s3 =	simm.s32 $0x108;
	s8 =	sld [smem:$0x3FAB]  }
0x2e: {  	s3 =	simm.s32 @!p0 $0x1082;
	s9 =	sld [smem:$0x3FAC]  }
0x2f: {  	lr =	sadd.s32 s0, s3;
	s0 =	sld [smem:$0x3FA3]  }
0x30: {  	s3 =	sld [smem:$0x3FA6]  }
0x31: {  	[smem:$0x3FAF] =	sst s10  }
0x32: {  	s10 =	sld [smem:$0x3FAD];
	_ =	sdelay $0x3  }
0x33: {  	p0 =	seq.s32 s10, $0x1;
	s10 =	sld [smem:$0x3FAF];
	_ =	sdelay $0x3  }
0x34: {  	[smem:$0x3FAF] =	sst s10  }
0x35: {  	s10 =	sld [smem:$0x3FAE];
	_ =	sdelay $0x3  }
0x36: {  	p1 =	seq.s32 s10, $0x1;
	s10 =	sld [smem:$0x3FAF];
	_ =	sdelay $0x3  }
0x37: {  	[smem:$0x3FAF] =	sst s10  }
0x38: {  	s10 =	sld [smem:$0x3FB0]  }
0x39: {  	_ = 	snop;
	(pc) =	sbr.ind lr, $3  }
0x3a: {  	_ = 	snop  }
0x3b: {  	_ = 	snop  }
0x3c: {  	p2 =	seq.s32 s10, $0x1;
	s10 =	sld [smem:$0x3FAF]  }
0x3d: {  	_ =	shalt  }
0x3e: {  	_ =	shalt  }
0x3f: {  	_ =	shalt  }
0x40: {  	_ =	shalt  }
0x41: {  	_ =	shalt  }
0x42: {  	_ =	shalt  }
0x43: {  	_ =	shalt  }
0x44: {  	_ =	shalt  }
0x45: {  	_ =	shalt  }
0x46: {  	_ =	shalt  }
0x47: {  	_ =	shalt  }
0x48: {  	_ =	shalt  }
0x49: {  	_ =	shalt  }
0x4a: {  	_ =	shalt  }
0x4b: {  	_ =	shalt  }
0x4c: {  	_ =	shalt  }
0x4d: {  	_ =	shalt  }
0x4e: {  	_ =	shalt  }
0x4f: {  	_ =	shalt  }
0x50: {  	_ =	shalt  }
0x51: {  	_ =	shalt  }
0x52: {  	_ =	shalt  }
0x53: {  	_ =	shalt  }
0x54: {  	_ =	shalt  }
0x55: {  	_ =	shalt  }
0x56: {  	_ =	shalt  }
0x57: {  	_ =	shalt  }
0x58: {  	_ =	shalt  }
0x59: {  	_ =	shalt  }
0x5a: {  	_ =	shalt  }
0x5b: {  	_ =	shalt  }
0x5c: {  	_ =	shalt  }
0x5d: {  	_ =	shalt  }
0x5e: {  	_ =	shalt  }
0x5f: {  	_ =	shalt  }
0x60: {  	_ =	shalt  }
0x61: {  	_ =	shalt  }
0x62: {  	_ =	shalt  }
0x63: {  	_ =	shalt  }
0x64: {  	_ =	shalt  }
0x65: {  	_ =	shalt  }
0x66: {  	_ =	shalt  }
0x67: {  	_ =	shalt  }
0x68: {  	_ =	shalt  }
0x69: {  	_ =	shalt  }
0x6a: {  	_ =	shalt  }
0x6b: {  	_ =	shalt  }
0x6c: {  	_ =	shalt  }
0x6d: {  	_ =	shalt  }
0x6e: {  	_ =	shalt  }
0x6f: {  	_ =	shalt  }
0x70: {  	_ =	shalt  }
0x71: {  	_ =	shalt  }
0x72: {  	_ =	shalt  }
0x73: {  	_ =	shalt  }
0x74: {  	_ =	shalt  }
0x75: {  	_ =	shalt  }
0x76: {  	_ =	shalt  }
0x77: {  	_ =	shalt  }
0x78: {  	_ =	shalt  }
0x79: {  	_ =	shalt  }
0x7a: {  	_ =	shalt  }
0x7b: {  	_ =	shalt  }
0x7c: {  	_ =	shalt  }
0x7d: {  	_ =	shalt  }
0x7e: {  	_ =	shalt  }
0x7f: {  	_ =	shalt  }
0x80: {  	_ =	shalt  }
0x81: {  	_ =	shalt  }
0x82: {  	_ =	shalt  }
0x83: {  	_ =	shalt  }
0x84: {  	_ =	shalt  }
0x85: {  	_ =	shalt  }
0x86: {  	_ =	shalt  }
0x87: {  	_ =	shalt  }
.Lfunc_end0:
.L_simem_size_0:
called_computation_lowered:
.L_overlay_start_0:
0x88: {  	s2 =	sld [smem:$0x3FD9]  }
0x89: {  	s3 =	sld [smem:$0x3FFE];
	_ =	sdelay $0x1  }
0x8a: {  	s1 =	srdreg.scid  }
0x8b: {  	s0 =	sand.u32 $0x1, s1  }
0x8c: {  	s17 =	sshll.u32 s0, $0xA;
	s2 =	sadd.s32 s3, s2  }
0x8d: {  	s2 =	sadd.s32 s2, s17  }
0x8e: {  	[smem:$0x3FBB] =	sst s2  }
0x8f: {  	_ = 	snop  }
0x90: {  	s2 =	sld [smem:$0x3FC9]  }
0x91: {  	s18 =	sld [smem:$0x3FC8]  }
0x92: {  	s4 =	sld [smem:$0x3FD0];
	(tm) =	ssettm $0x1  }
0x93: {  	s5 =	sld [smem:$0x3FFB];
	_ =	sdelay $0x3  }
0x94: {  	_ =	strace s5  }
0x95: {  	s5 =	sld [smem:$0x3FFC];
	_ =	sdelay $0x3  }
0x96: {  	_ =	strace s5  }
0x97: {  	s5 =	sld [smem:$0x3FFD];
	_ =	sdelay $0x3  }
0x98: {  	_ =	strace s5  }
0x99: {  	_ =	strace $0x8FFFFFFF  }
0x9a: {  	s19 =	sld [smem:$0x3FDB];
	_ =	sdelay $0x1  }
0x9b: {  	s6 =	simm.s32 $_scs_section_size  }
0x9c: {  	s7 =	simm.s32 $_size__tile_overlayer_lowered;
	s8 =	simm.s32 $_tile_overlayer_lowered  }
0x9d: {  	s22 =	simm.s32 $0x1BFF;
	s21 =	sshll.u32 s8, $0x1;
	s5 =	sadd.s32 s6, s19  }
0x9e: {  	s9 =	simm.s32 $0x0;
	s20 =	sshll.u32 s7, $0x1;
	s7 =	sadd.s32 s21, s5  }
0x9f: {  	[timem:s9], [sflag:s22] =	dma.local [hbm:s7], s20  }
0xa0: {  	_ =	swait.ge [sflag:s22], s20  }
0xa1: {  	s6 =	ssub.s32 $0x0, s20;
	[sflag:s22] =	ssyncset.done $0x0  }
0xa2: {  	[sflag:s22] =	ssyncadd.s32 s6;
	_ =	sdelay $0x1  }
0xa3: {  	s23 =	simm.s32 $0x1B8B  }
0xa4: {  	_ =	swait.ge [sflag:s23], $0x1  }
0xa5: {  	[sflag:s23] =	ssyncset.done $0x0  }
0xa6: {  	s25 =	simm.s32 $0x1B8E;
	s24 =	sld [smem:$0x3FFE];
	[sflag:s23] =	ssyncadd.s32 $0xFFFFFFFF  }
0xa7: {  	s26 =	simm.s32 $execute0_lowered;
	[smem:$0x3FD2] =	sst s25  }
0xa8: {  	s7 =	sshll.u32 s26, $0x1;
	_ =	strace $0x80000046;
	[dreg:$0x1] =	wrdreg $0xFFFFFFFF  }
0xa9: {  	s28 =	simm.s32 $_size_execute0_lowered;
	s5 =	sadd.s32 s5, s7;
	[dreg:$0x0] =	wrdreg $0x0  }
0xaa: {  	s7 =	sshll.u32 s28, $0x1;
	[dreg:$0x2] =	wrdreg s5  }
0xab: {  	[dreg:$0x3] =	wrdreg s7  }
0xac: {  	[dreg:$0x4] =	wrdreg $0xC0  }
0xad: {  	_ =	task [dreg:s9], $0x5FFFF  }
0xae: {  	[dreg:$0x1] =	wrdreg $0xFFFFFFFF  }
0xaf: {  	[dreg:$0x0] =	wrdreg $0x60  }
0xb0: {  	[dreg:$0x2] =	wrdreg s4  }
0xb1: {  	[dreg:$0x3] =	wrdreg s24  }
0xb2: {  	[dreg:$0x4] =	wrdreg s2  }
0xb3: {  	[dreg:$0x5] =	wrdreg s18  }
0xb4: {  	[dreg:$0x6] =	wrdreg $0x35000  }
0xb5: {  	[dreg:$0x7] =	wrdreg $0x34000  }
0xb6: {  	[dreg:$0x8] =	wrdreg $0x9  }
0xb7: {  	_ =	task.clear_ibuf [dreg:s9], $0x9FFFF;
	_ =	strace $0x90000046  }
0xb8: {  	s29 =	simm.s32 $0x9;
	_ =	strace $0x80000048  }
0xb9: {  	_ =	swait.ge [sflag:s29], $0x1  }
0xba: {  	[sflag:s29] =	ssyncadd.s32 $0xFFFFFFFF  }
0xbb: {  	_ =	strace $0x90000048  }
0xbc: {  	_ =	sfence  }
0xbd: {  	s30 =	sld [smem:$0x0];
	_ =	sdelay $0x2  }
0xbe: {  	s31 =	sshll.u32 s1, $0xD;
	s1 =	sshrl.u32 s1, $0x2  }
0xbf: {  	s3 =	sand.u32 $0x4000, s31;
	s1 =	sadd.s32 s1, s30  }
0xc0: {  	s0 =	sor.u32 s3, s0;
	s1 =	sshll.u32 s1, $0x11  }
0xc1: {  	s0 =	sor.u32 s1, s0  }
0xc2: {  	s0 =	sadd.s32 $0x8F2B, s0  }
0xc3: {  	[sflag:s0] =	ssyncadd.remote.s32 $0x1  }
0xc4: {  	_ =	sfence.sel $0xFFFF  }
0xc5: {  	[dreg:$0x0] =	wrdreg $0xFFFFFFFF;
	(pc) =	sbr.abs _section_cstart, $3  }
0xc6: {  	[dreg:$0x1] =	wrdreg $0xFFFFFFFF  }
0xc7: {  	_ =	task.clear_ibuf [dreg:s9], $0x2FFFF;
	_ =	strace $0x9FFFFFFF  }
0xc8: {  	(tm) =	ssettm $0x7FFFFFFF  }
0xc9: {  	_ =	shalt  }
tec
execute0_lowered:
.L_overlay_start_1:
0x0: {  	(tag) =	ssettag $0x1  }
0x1: {  	s0 =	rddreg [dreg:$0x0]  }
0x2: {  	s23 =	rddreg [dreg:$0x1]  }
0x3: {  	s1 =	rddreg [dreg:$0x2]  }
0x4: {  	s3 =	rddreg [dreg:$0x3]  }
0x5: {  	s2 =	rddreg [dreg:$0x4]  }
0x6: {  	s6 =	rddreg [dreg:$0x5]  }
0x7: {  	s11 =	rddreg [dreg:$0x6];
	s8 =	simm.s32 $0x0;
	s4 =	srdreg.scid  }
0x8: {  	s12 =	stileid.u32;
	s13 =	simm.s32 $0x200;
	s10 =	simm.s32 $0x1400  }
0x9: {  	s16 =	simm.s32 $0x800;
	s17 =	simm.s32 $0x280;
	s18 =	simm.s32 $0x1C00  }
0xa: {  	s19 =	simm.s32 $0x100;
	s20 =	simm.s32 $0xC00;
	s21 =	simm.s32 $0x300  }
0xb: {  	s22 =	simm.s32 $0x2400;
	s28 =	simm.s32 $0x380;
	[dreg:$0x7] =	wrdreg s0  }
0xc: {  	s29 =	simm.s32 $0x2C00;
	p2 =	por $0x0, $0x0;
	[smem:$0x7FF] =	sst s8  }
0xd: {  	s4 =	sand.u32 $0x1, s4;
	s5 =	sadd.s32 $0x1600, s23;
	s7 =	sshll.u32 s12, $0xA  }
0xe: {  	_ =	strace $0x80000047;
	s9 =	sshll.u32 s4, $0x9;
	s4 =	ssub.s32 $0x2, s4  }
0xf: {  	[dreg:$0x8] =	wrdreg s5;
	s24 =	sor.u32 s9, s7;
	s25 =	sshrl.u32 s4, $0x1  }
0x10: {  	s7 =	sshll.u32 s24, $0x4;
	s5 =	sshrl.u32 s24, $0x3;
	s26 =	ssub.s32 s4, s25  }
0x11: {  	s0 =	sadd.s32 s7, s23;
	s30 =	sadd.s32 s3, s5;
	s31 =	smax.u32 s26, $0x1  }
0x12: {  	s3 =	sadd.s32 $0x3001, s0;
	s4 =	sadd.s32 $0x3002, s0;
	s0 =	sadd.s32 $0xFFFFFFFF, s31  }
0x13: {  	s14 =	simm.s32 $0x8;
	p0 =	seq.s32 s12, $0x1;
	p3 =	sne.s32 s0, $0x0  }
.Ltmp0:
0x14: {  	s15 =	simm.s32 $0x10;
	p1 =	sne.s32 @!p0 s12, $0x0;
	(pc) =	sbr.rel @!p3 .LBB2_5-.Ltmp0, $4  }
0x15: {  	p1 =	por p1, p0;
	s9 =	simm.s32 $0x400;
	s1 =	sadd.s32 s1, s5  }
0x16: {  	s25 =	sshrl.u32 @!p1 s2, $0x3;
	s24 =	simm.s32 $0x1000;
	[dreg:$0x9] =	wrdreg s1  }
0x17: {  	s26 =	sshrl.u32 @p0 s6, $0x3;
	s5 =	simm.s32 $0x1;
	[dreg:$0xa] =	wrdreg s30  }
0x18: {  	s7 =	simm.s32 $0x80;
	s23 =	simm.s32 $0x180;
	s1 =	rddreg [dreg:$0x9]  }
0x19: {  	s30 =	rddreg [dreg:$0x7]  }
0x1a: {  	[tilespmem:s8], [sflag:$0x1] =	stream.linear.gather [hbm4b:s1+s8], $0x200, $0x38;
	[tilespmem:$0x4180] =	vst v63  }
0x1b: {  	s31 =	rddreg [dreg:$0xa];
	s1 =	simm.s32 @p0 $0x1C42;
	s29 =	simm.s32 @p0 $0x2  }
0x1c: {  	[tilespmem:s13], [sflag:$0x1] =	stream.linear.gather [hbm4b:s31+s8], $0x200, $0x38;
	[tilespmem:$0x4180] =	vst v63  }
0x1d: {  	[spmem:s26], [sflag:s1] =	dma.local @p0 [hbm:s30], $0x1F4  }
0x1e: {  	_ =	swait.ge @p0 [sflag:s29], $0x1F4  }
0x1f: {  	s14 =	simm.s32 @!p1 $0x1C02;
	[sflag:s29] =	ssyncset.done @p0 $0x0  }
0x20: {  	s31 =	simm.s32 @!p1 $0x2;
	s1 =	rddreg [dreg:$0x8];
	[sflag:s29] =	ssyncadd.s32 @p0 $0xFFFFFE0C  }
0x21: {  	[spmem:s25], [sflag:s14] =	dma.local @!p1 [hbm:s1], $0x1900  }
0x22: {  	_ =	swait.ge @!p1 [sflag:s31], $0x1900  }
0x23: {  	[sflag:s31] =	ssyncset.done @!p1 $0x0  }
0x24: {  	[sflag:s31] =	ssyncadd.s32 @!p1 $0xFFFFE700  }
0x25: {  	_ =	swait.ge [sflag:s5], $0x200  }
0x26: {  	[sflag:s5] =	ssyncset.done $0x0  }
0x27: {  	[sflag:s5] =	ssyncadd.s32 $0xFFFFFE00  }
0x28: {  	_ =	swait.ge [sflag:s5], $0x200  }
0x29: {  	[sflag:s5] =	ssyncset.done $0x0  }
0x2a: {  	[sflag:s5] =	ssyncadd.s32 $0xFFFFFE00  }
0x2b: {  	[bflag:$0x0] =	sbarrier.arrive $0xFFFF  }
0x2c: {  	[tilespmem:s9], [sflag:$0x1] =	stream.indirect.gather [spmem:s6], $0x8, s8, s7, $0xb8;
	[tilespmem:$0x4180] =	vst v63  }
0x2d: {  	_ = 	snop  }
0x2e: {  	[tilespmem:s10], [sflag:$0x1] =	stream.indirect.gather [spmem:s2], $0x10, s13, s7, $0xb8;
	[tilespmem:$0x4180] =	vst v63  }
0x2f: {  	s16 =	simm.s32 $0x800  }
0x30: {  	[tilespmem:s16], [sflag:$0x1] =	stream.indirect.gather [spmem:s6], $0x8, s7, s7, $0xb8;
	[tilespmem:$0x4180] =	vst v63  }
0x31: {  	s28 =	simm.s32 $0x280;
	s11 =	simm.s32 $0x1C00  }
0x32: {  	[tilespmem:s11], [sflag:$0x1] =	stream.indirect.gather [spmem:s2], $0x10, s28, s7, $0xb8;
	[tilespmem:$0x4180] =	vst v63  }
0x33: {  	s22 =	simm.s32 $0x100;
	s12 =	simm.s32 $0xC00  }
0x34: {  	[tilespmem:s12], [sflag:$0x1] =	stream.indirect.gather [spmem:s6], $0x8, s22, s7, $0xb8;
	[tilespmem:$0x4180] =	vst v63  }
0x35: {  	s24 =	simm.s32 $0x300;
	s16 =	simm.s32 $0x2400  }
0x36: {  	[tilespmem:s16], [sflag:$0x1] =	stream.indirect.gather [spmem:s2], $0x10, s24, s7, $0xb8;
	[tilespmem:$0x4180] =	vst v63  }
0x37: {  	s15 =	simm.s32 $0x180;
	s11 =	simm.s32 $0x1000  }
0x38: {  	[tilespmem:s11], [sflag:$0x1] =	stream.indirect.gather [spmem:s6], $0x8, s15, s7, $0xb8;
	[tilespmem:$0x4180] =	vst v63  }
0x39: {  	s12 =	simm.s32 $0x380;
	s16 =	simm.s32 $0x2C00  }
0x3a: {  	[tilespmem:s16], [sflag:$0x1] =	stream.indirect.gather [spmem:s2], $0x10, s12, s7, $0xb8;
	[tilespmem:$0x4180] =	vst v63  }
0x3b: {  	_ =	swait.ge [sflag:s5], $0x400  }
0x3c: {  	[sflag:s5] =	ssyncset.done $0x0  }
0x3d: {  	[sflag:s5] =	ssyncadd.s32 $0xFFFFFC00  }
0x3e: {  	_ =	swait.ge [sflag:s5], $0x800  }
0x3f: {  	[sflag:s5] =	ssyncset.done $0x0  }
0x40: {  	[sflag:s5] =	ssyncadd.s32 $0xFFFFF800  }
0x41: {  	_ =	swait.ge [sflag:s5], $0x400  }
0x42: {  	[sflag:s5] =	ssyncset.done $0x0  }
0x43: {  	[sflag:s5] =	ssyncadd.s32 $0xFFFFFC00  }
0x44: {  	_ =	swait.ge [sflag:s5], $0x800  }
0x45: {  	[sflag:s5] =	ssyncset.done $0x0  }
0x46: {  	[sflag:s5] =	ssyncadd.s32 $0xFFFFF800  }
0x47: {  	_ =	swait.ge [sflag:s5], $0x400  }
0x48: {  	[sflag:s5] =	ssyncset.done $0x0  }
0x49: {  	[sflag:s5] =	ssyncadd.s32 $0xFFFFFC00  }
0x4a: {  	_ =	swait.ge [sflag:s5], $0x800  }
0x4b: {  	[sflag:s5] =	ssyncset.done $0x0  }
0x4c: {  	[sflag:s5] =	ssyncadd.s32 $0xFFFFF800  }
0x4d: {  	_ =	swait.ge [sflag:s5], $0x400  }
0x4e: {  	[sflag:s5] =	ssyncset.done $0x0  }
0x4f: {  	s17 =	simm.s32 $0x800;
	[sflag:s5] =	ssyncadd.s32 $0xFFFFFC00  }
0x50: {  	s18 =	simm.s32 $0x280;
	s19 =	simm.s32 $0x1C00;
	_ =	swait.ge [sflag:s5], $0x800  }
0x51: {  	s20 =	simm.s32 $0x100;
	s21 =	simm.s32 $0xC00;
	[sflag:s5] =	ssyncset.done $0x0  }
0x52: {  	s0 =	sadd.s32 $0xFFFFFFFF, s0;
	s11 =	simm.s32 $0x8;
	[sflag:s5] =	ssyncadd.s32 $0xFFFFF800  }
0x53: {  	[hbm4b:s3+s11] =	stream.strided.scatter [tilespmem:s9], [sflag:$0x1], $0x1000, s7, s11, $0x38;
	[tilespmem:$0x4180] =	vst v63  }
0x54: {  	s23 =	simm.s32 $0x2400;
	p3 =	sne.s32 s0, $0x0;
	s12 =	simm.s32 $0x10  }
0x55: {  	[hbm4b:s4+s12] =	stream.strided.scatter [tilespmem:s10], [sflag:$0x1], $0x2000, s7, s12, $0x38;
	[tilespmem:$0x4180] =	vst v63  }
.Ltmp1:
0x56: {  	p2 =	por $0x1, $0x1;
	_ =	swait.ge [sflag:s5], $0x1000;
	(pc) =	sbr.rel @!p3 .LBB2_2-.Ltmp1, $4  }
0x57: {  	s30 =	simm.s32 $0x380;
	s14 =	simm.s32 $0x1000;
	[sflag:s5] =	ssyncset.done $0x0  }
0x58: {  	s28 =	simm.s32 $0x8;
	s22 =	simm.s32 $0x300;
	[sflag:s5] =	ssyncadd.s32 $0xFFFFF000  }
0x59: {  	s24 =	simm.s32 $0x180;
	s15 =	simm.s32 $0x2C00;
	_ =	swait.ge [sflag:s5], $0x2000  }
0x5a: {  	s16 =	simm.s32 $0x10;
	s1 =	rddreg [dreg:$0x9];
	[sflag:s5] =	ssyncset.done $0x0  }
.LBB2_3:
0x5b: {  	s11 =	rddreg [dreg:$0x7];
	[sflag:s5] =	ssyncadd.s32 $0xFFFFE000  }
0x5c: {  	[tilespmem:s8], [sflag:$0x1] =	stream.linear.gather [hbm4b:s1+s8], $0x200, $0x38;
	[tilespmem:$0x4180] =	vst v63  }
0x5d: {  	s12 =	rddreg [dreg:$0xa];
	s1 =	simm.s32 @p0 $0x1C42  }
0x5e: {  	[tilespmem:s13], [sflag:$0x1] =	stream.linear.gather [hbm4b:s12+s8], $0x200, $0x38;
	[tilespmem:$0x4180] =	vst v63  }
0x5f: {  	[spmem:s26], [sflag:s1] =	dma.local @p0 [hbm:s11], $0x1F4  }
0x60: {  	_ =	swait.ge @p0 [sflag:s29], $0x1F4  }
0x61: {  	[sflag:s29] =	ssyncset.done @p0 $0x0  }
0x62: {  	s11 =	simm.s32 @!p1 $0x1C02;
	s1 =	rddreg [dreg:$0x8];
	[sflag:s29] =	ssyncadd.s32 @p0 $0xFFFFFE0C  }
0x63: {  	[spmem:s25], [sflag:s11] =	dma.local @!p1 [hbm:s1], $0x1900  }
0x64: {  	_ =	swait.ge @!p1 [sflag:s31], $0x1900  }
0x65: {  	[sflag:s31] =	ssyncset.done @!p1 $0x0  }
0x66: {  	[sflag:s31] =	ssyncadd.s32 @!p1 $0xFFFFE700  }
0x67: {  	_ =	swait.ge [sflag:s5], $0x200  }
0x68: {  	[sflag:s5] =	ssyncset.done $0x0  }
0x69: {  	[sflag:s5] =	ssyncadd.s32 $0xFFFFFE00  }
0x6a: {  	_ =	swait.ge [sflag:s5], $0x200  }
0x6b: {  	[sflag:s5] =	ssyncset.done $0x0  }
0x6c: {  	[sflag:s5] =	ssyncadd.s32 $0xFFFFFE00  }
0x6d: {  	[bflag:$0x0] =	sbarrier.arrive $0xFFFF  }
0x6e: {  	[tilespmem:s9], [sflag:$0x1] =	stream.indirect.gather [spmem:s6], $0x8, s8, s7, $0xb8;
	[tilespmem:$0x4180] =	vst v63  }
0x6f: {  	_ = 	snop  }
0x70: {  	[tilespmem:s10], [sflag:$0x1] =	stream.indirect.gather [spmem:s2], $0x10, s13, s7, $0xb8;
	[tilespmem:$0x4180] =	vst v63  }
0x71: {  	_ = 	snop  }
0x72: {  	[tilespmem:s17], [sflag:$0x1] =	stream.indirect.gather [spmem:s6], $0x8, s7, s7, $0xb8;
	[tilespmem:$0x4180] =	vst v63  }
0x73: {  	_ = 	snop  }
0x74: {  	[tilespmem:s19], [sflag:$0x1] =	stream.indirect.gather [spmem:s2], $0x10, s18, s7, $0xb8;
	[tilespmem:$0x4180] =	vst v63  }
0x75: {  	_ = 	snop  }
0x76: {  	[tilespmem:s21], [sflag:$0x1] =	stream.indirect.gather [spmem:s6], $0x8, s20, s7, $0xb8;
	[tilespmem:$0x4180] =	vst v63  }
0x77: {  	_ = 	snop  }
0x78: {  	[tilespmem:s23], [sflag:$0x1] =	stream.indirect.gather [spmem:s2], $0x10, s22, s7, $0xb8;
	[tilespmem:$0x4180] =	vst v63  }
0x79: {  	_ = 	snop  }
0x7a: {  	[tilespmem:s14], [sflag:$0x1] =	stream.indirect.gather [spmem:s6], $0x8, s24, s7, $0xb8;
	[tilespmem:$0x4180] =	vst v63  }
0x7b: {  	_ = 	snop  }
0x7c: {  	[tilespmem:s15], [sflag:$0x1] =	stream.indirect.gather [spmem:s2], $0x10, s30, s7, $0xb8;
	[tilespmem:$0x4180] =	vst v63  }
0x7d: {  	_ =	swait.ge [sflag:s5], $0x400  }
0x7e: {  	[sflag:s5] =	ssyncset.done $0x0  }
0x7f: {  	[sflag:s5] =	ssyncadd.s32 $0xFFFFFC00  }
0x80: {  	_ =	swait.ge [sflag:s5], $0x800  }
0x81: {  	[sflag:s5] =	ssyncset.done $0x0  }
0x82: {  	[sflag:s5] =	ssyncadd.s32 $0xFFFFF800  }
0x83: {  	_ =	swait.ge [sflag:s5], $0x400  }
0x84: {  	[sflag:s5] =	ssyncset.done $0x0  }
0x85: {  	[sflag:s5] =	ssyncadd.s32 $0xFFFFFC00  }
0x86: {  	_ =	swait.ge [sflag:s5], $0x800  }
0x87: {  	[sflag:s5] =	ssyncset.done $0x0  }
0x88: {  	[sflag:s5] =	ssyncadd.s32 $0xFFFFF800  }
0x89: {  	_ =	swait.ge [sflag:s5], $0x400  }
0x8a: {  	[sflag:s5] =	ssyncset.done $0x0  }
0x8b: {  	[sflag:s5] =	ssyncadd.s32 $0xFFFFFC00  }
0x8c: {  	_ =	swait.ge [sflag:s5], $0x800  }
0x8d: {  	[sflag:s5] =	ssyncset.done $0x0  }
0x8e: {  	[sflag:s5] =	ssyncadd.s32 $0xFFFFF800  }
0x8f: {  	_ =	swait.ge [sflag:s5], $0x400  }
0x90: {  	[sflag:s5] =	ssyncset.done $0x0  }
0x91: {  	[sflag:s5] =	ssyncadd.s32 $0xFFFFFC00  }
0x92: {  	_ =	swait.ge [sflag:s5], $0x800  }
0x93: {  	[sflag:s5] =	ssyncset.done $0x0  }
0x94: {  	s0 =	sadd.s32 $0xFFFFFFFF, s0;
	[sflag:s5] =	ssyncadd.s32 $0xFFFFF800  }
0x95: {  	[hbm4b:s3+s28] =	stream.strided.scatter [tilespmem:s9], [sflag:$0x1], $0x1000, s7, s28, $0x38;
	[tilespmem:$0x4180] =	vst v63  }
0x96: {  	p3 =	sne.s32 s0, $0x0  }
0x97: {  	[hbm4b:s4+s16] =	stream.strided.scatter [tilespmem:s10], [sflag:$0x1], $0x2000, s7, s16, $0x38;
	[tilespmem:$0x4180] =	vst v63  }
.Ltmp2:
0x98: {  	_ =	swait.ge [sflag:s5], $0x1000;
	(pc) =	sbr.rel @p3 .LBB2_3-.Ltmp2, $4  }
0x99: {  	[sflag:s5] =	ssyncset.done $0x0  }
0x9a: {  	[sflag:s5] =	ssyncadd.s32 $0xFFFFF000  }
0x9b: {  	_ =	swait.ge [sflag:s5], $0x2000  }
0x9c: {  	s1 =	rddreg [dreg:$0x9];
	[sflag:s5] =	ssyncset.done $0x0  }
0x9d: {  	s11 =	rddreg [dreg:$0x6];
	s12 =	stileid.u32;
	s14 =	simm.s32 $0x8  }
0x9e: {  	s15 =	simm.s32 $0x10;
	s16 =	simm.s32 $0x800;
	s17 =	simm.s32 $0x280  }
0x9f: {  	s18 =	simm.s32 $0x1C00;
	s19 =	simm.s32 $0x100;
	s20 =	simm.s32 $0xC00  }
0xa0: {  	s21 =	simm.s32 $0x300;
	s22 =	simm.s32 $0x2400;
	s23 =	simm.s32 $0x180  }
0xa1: {  	s24 =	simm.s32 $0x1000;
	s28 =	simm.s32 $0x380;
	s29 =	simm.s32 $0x2C00  }
.LBB2_5:
0xa2: {  	[sflag:s5] =	ssyncadd.s32 @p2 $0xFFFFE000  }
0xa3: {  	[tilespmem:s8], [sflag:$0x1] =	stream.linear.gather [hbm4b:s1+s8], $0x200, $0x38;
	[tilespmem:$0x4180] =	vst v63  }
0xa4: {  	s0 =	rddreg [dreg:$0xa]  }
0xa5: {  	[tilespmem:s13], [sflag:$0x1] =	stream.linear.gather [hbm4b:s0+s8], $0x200, $0x38;
	[tilespmem:$0x4180] =	vst v63  }
0xa6: {  	s1 =	rddreg [dreg:$0x7];
	s0 =	simm.s32 @p0 $0x1C42  }
0xa7: {  	[spmem:s26], [sflag:s0] =	dma.local @p0 [hbm:s1], $0x1F4  }
0xa8: {  	s0 =	simm.s32 @p0 $0x2  }
0xa9: {  	_ =	swait.ge @p0 [sflag:s0], $0x1F4  }
0xaa: {  	[sflag:s0] =	ssyncset.done @p0 $0x0  }
0xab: {  	s1 =	rddreg [dreg:$0x8];
	[sflag:s0] =	ssyncadd.s32 @p0 $0xFFFFFE0C;
	s0 =	simm.s32 @!p1 $0x1C02  }
0xac: {  	[spmem:s25], [sflag:s0] =	dma.local @!p1 [hbm:s1], $0x1900  }
0xad: {  	s0 =	simm.s32 @!p1 $0x2  }
0xae: {  	_ =	swait.ge @!p1 [sflag:s0], $0x1900  }
0xaf: {  	[sflag:s0] =	ssyncset.done @!p1 $0x0  }
0xb0: {  	[sflag:s0] =	ssyncadd.s32 @!p1 $0xFFFFE700  }
0xb1: {  	_ =	swait.ge [sflag:s5], $0x200  }
0xb2: {  	[sflag:s5] =	ssyncset.done $0x0  }
0xb3: {  	[sflag:s5] =	ssyncadd.s32 $0xFFFFFE00  }
0xb4: {  	_ =	swait.ge [sflag:s5], $0x200  }
0xb5: {  	[sflag:s5] =	ssyncset.done $0x0  }
0xb6: {  	[sflag:s5] =	ssyncadd.s32 $0xFFFFFE00  }
0xb7: {  	[bflag:$0x0] =	sbarrier.arrive $0xFFFF  }
0xb8: {  	[tilespmem:s9], [sflag:$0x1] =	stream.indirect.gather [spmem:s6], $0x8, s8, s7, $0xb8;
	[tilespmem:$0x4180] =	vst v63  }
0xb9: {  	_ = 	snop  }
0xba: {  	[tilespmem:s10], [sflag:$0x1] =	stream.indirect.gather [spmem:s2], $0x10, s13, s7, $0xb8;
	[tilespmem:$0x4180] =	vst v63  }
0xbb: {  	_ = 	snop  }
0xbc: {  	[tilespmem:s16], [sflag:$0x1] =	stream.indirect.gather [spmem:s6], $0x8, s7, s7, $0xb8;
	[tilespmem:$0x4180] =	vst v63  }
0xbd: {  	_ = 	snop  }
0xbe: {  	[tilespmem:s18], [sflag:$0x1] =	stream.indirect.gather [spmem:s2], $0x10, s17, s7, $0xb8;
	[tilespmem:$0x4180] =	vst v63  }
0xbf: {  	_ = 	snop  }
0xc0: {  	[tilespmem:s20], [sflag:$0x1] =	stream.indirect.gather [spmem:s6], $0x8, s19, s7, $0xb8;
	[tilespmem:$0x4180] =	vst v63  }
0xc1: {  	_ = 	snop  }
0xc2: {  	[tilespmem:s22], [sflag:$0x1] =	stream.indirect.gather [spmem:s2], $0x10, s21, s7, $0xb8;
	[tilespmem:$0x4180] =	vst v63  }
0xc3: {  	_ = 	snop  }
0xc4: {  	[tilespmem:s24], [sflag:$0x1] =	stream.indirect.gather [spmem:s6], $0x8, s23, s7, $0xb8;
	[tilespmem:$0x4180] =	vst v63  }
0xc5: {  	_ = 	snop  }
0xc6: {  	[tilespmem:s29], [sflag:$0x1] =	stream.indirect.gather [spmem:s2], $0x10, s28, s7, $0xb8;
	[tilespmem:$0x4180] =	vst v63  }
0xc7: {  	_ =	swait.ge [sflag:s5], $0x400  }
0xc8: {  	[sflag:s5] =	ssyncset.done $0x0  }
0xc9: {  	[sflag:s5] =	ssyncadd.s32 $0xFFFFFC00  }
0xca: {  	_ =	swait.ge [sflag:s5], $0x800  }
0xcb: {  	[sflag:s5] =	ssyncset.done $0x0  }
0xcc: {  	[sflag:s5] =	ssyncadd.s32 $0xFFFFF800  }
0xcd: {  	_ =	swait.ge [sflag:s5], $0x400  }
0xce: {  	[sflag:s5] =	ssyncset.done $0x0  }
0xcf: {  	[sflag:s5] =	ssyncadd.s32 $0xFFFFFC00  }
0xd0: {  	_ =	swait.ge [sflag:s5], $0x800  }
0xd1: {  	[sflag:s5] =	ssyncset.done $0x0  }
0xd2: {  	[sflag:s5] =	ssyncadd.s32 $0xFFFFF800  }
0xd3: {  	_ =	swait.ge [sflag:s5], $0x400  }
0xd4: {  	[sflag:s5] =	ssyncset.done $0x0  }
0xd5: {  	[sflag:s5] =	ssyncadd.s32 $0xFFFFFC00  }
0xd6: {  	_ =	swait.ge [sflag:s5], $0x800  }
0xd7: {  	[sflag:s5] =	ssyncset.done $0x0  }
0xd8: {  	[sflag:s5] =	ssyncadd.s32 $0xFFFFF800  }
0xd9: {  	_ =	swait.ge [sflag:s5], $0x400  }
0xda: {  	[sflag:s5] =	ssyncset.done $0x0  }
0xdb: {  	[sflag:s5] =	ssyncadd.s32 $0xFFFFFC00  }
0xdc: {  	_ =	swait.ge [sflag:s5], $0x800  }
0xdd: {  	[sflag:s5] =	ssyncset.done $0x0  }
0xde: {  	[sflag:s5] =	ssyncadd.s32 $0xFFFFF800  }
0xdf: {  	[hbm4b:s3+s14] =	stream.strided.scatter [tilespmem:s9], [sflag:$0x1], $0x1000, s7, s14, $0x38;
	[tilespmem:$0x4180] =	vst v63  }
0xe0: {  	_ = 	snop  }
0xe1: {  	[hbm4b:s4+s15] =	stream.strided.scatter [tilespmem:s10], [sflag:$0x1], $0x2000, s7, s15, $0x38;
	[tilespmem:$0x4180] =	vst v63  }
0xe2: {  	_ =	swait.ge [sflag:s5], $0x1000  }
0xe3: {  	[sflag:s5] =	ssyncset.done $0x0  }
0xe4: {  	[sflag:s5] =	ssyncadd.s32 $0xFFFFF000  }
0xe5: {  	_ =	swait.ge [sflag:s5], $0x2000  }
0xe6: {  	[sflag:s5] =	ssyncset.done $0x0  }
0xe7: {  	[sflag:s5] =	ssyncadd.s32 $0xFFFFE000  }
0xe8: {  	_ =	sfence.sel $0x180000  }
0xe9: {  	[bflag:$0x0] =	sbarrier.arrive $0xFFFF  }
0xea: {  	p0 =	sne.s32 s12, $0x0;
	_ =	strace $0x90000047  }
0xeb: {  	s0 =	sadd.s32 @!p0 $0x100000, s11;
	[bflag:$0x2] =	sbarrier.arrive $0xFFFF  }
0xec: {  	[sflag:s0] =	ssyncadd.tile.s32 @!p0 $0x1;
	_ =	shalt  }
.LBB2_2:
0xed: {  	s11 =	rddreg [dreg:$0x6]  }
.Ltmp3:
0xee: {  	s12 =	stileid.u32;
	s14 =	simm.s32 $0x8;
	(pc) =	sbr.rel .LBB2_5-.Ltmp3, $4  }
0xef: {  	s15 =	simm.s32 $0x10;
	s16 =	simm.s32 $0x800;
	s17 =	simm.s32 $0x280  }
0xf0: {  	s18 =	simm.s32 $0x1C00;
	s19 =	simm.s32 $0x100;
	s20 =	simm.s32 $0xC00  }
0xf1: {  	s21 =	simm.s32 $0x300;
	s22 =	simm.s32 $0x2400;
	s23 =	simm.s32 $0x180  }
0xf2: {  	s24 =	simm.s32 $0x1000;
	s28 =	simm.s32 $0x380;
	s29 =	simm.s32 $0x2C00  }
.Lfunc_end2:
_tile_overlayer_lowered:
.L_overlay_start_2:
0xf3: {  	(tag) =	ssettag $0x2  }
0xf4: {  	s0 =	rddreg [dreg:$0x0];
	s2 =	stileid.u32  }
0xf5: {  	s1 =	rddreg [dreg:$0x1];
	p0 =	sne.s32 s2, $0x0  }
0xf6: {  	s3 =	rddreg [dreg:$0x2];
	[bflag:$0x3] =	sbarrier.arrive $0xFFFF;
	s2 =	simm.s32 @!p0 $0x1C02  }
0xf7: {  	[timem:s3], [sflag:s2] =	dma.local @!p0 [hbm:s0], s1  }
0xf8: {  	s0 =	simm.s32 @!p0 $0x2  }
0xf9: {  	_ =	swait.ge @!p0 [sflag:s0], s1  }
0xfa: {  	s1 =	ssub.s32 @!p0 $0x0, s1;
	[sflag:s0] =	ssyncset.done @!p0 $0x0  }
0xfb: {  	[sflag:s0] =	ssyncadd.s32 @!p0 s1  }
0xfc: {  	[bflag:$0x3] =	sbarrier.arrive $0xFFFF  }
0xfd: {  	_ =	shalt  }

</sc_bundles>
